<compile_context>
chip_gen: v7x
topology: tpu7x:2x2x1
jax: 0.10.2.dev20260603
libtpu: 0.0.44.dev20260713+nightly
codegen_flags: <defaults>
</compile_context>

<pallas_src>
import jax
import jax.numpy as jnp
from jax import lax
from jax.experimental import pallas as pl
from jax.experimental.pallas import tpu as pltpu
from jax.experimental.pallas import tpu_sc as plsc

B = 4096
V = 100000
NC = 2
NS = 16
L = 16
NW = NC * NS
BPW = B // NW
NV = BPW // L
HV = 2


def _sc_body(inpt_hbm, tgt_hbm, out_hbm, tgt_v, seg_v, acc_v, *sems):
    wid = lax.axis_index("s") * NC + lax.axis_index("c")
    base = pl.multiple_of(wid * BPW, BPW)
    pltpu.sync_copy(tgt_hbm.at[pl.ds(base, BPW)], tgt_v)
    t16s = [tgt_v[pl.ds(i * L, L)] for i in range(NV)]
    copies = [
        pltpu.async_copy(
            inpt_hbm.at[t16s[i], pl.ds(base, BPW)],
            seg_v.at[pl.ds(i * L, L)],
            sems[i // HV],
        )
        for i in range(NV)
    ]
    lane_iota = lax.iota(jnp.int32, L)
    acc = jnp.zeros((L,), jnp.float32)
    for h in range(NV // HV):
        for c in copies[h * HV : (h + 1) * HV]:
            c.wait()
        for i in range(h * HV, (h + 1) * HV):
            diag = lane_iota + i * L
            vals = plsc.load_gather(seg_v, [diag, diag])
            acc = acc - jnp.where(t16s[i] > 0, vals, jnp.float32(0.0))
    acc_v[...] = acc
    pltpu.sync_copy(acc_v, out_hbm.at[wid])


@jax.jit
def kernel(input, target):
    tgt = target.reshape(B).astype(jnp.int32)
    mesh = plsc.VectorSubcoreMesh(core_axis_name="c", subcore_axis_name="s")
    parts = pl.kernel(
        _sc_body,
        out_type=jax.ShapeDtypeStruct((NW, L), jnp.float32),
        mesh=mesh,
        compiler_params=pltpu.CompilerParams(needs_layout_passes=False),
        scratch_types=[
            pltpu.VMEM((BPW,), jnp.int32),
            pltpu.VMEM((BPW, BPW), jnp.float32),
            pltpu.VMEM((L,), jnp.float32),
            pltpu.SemaphoreType.DMA,
            pltpu.SemaphoreType.DMA,
            pltpu.SemaphoreType.DMA,
            pltpu.SemaphoreType.DMA,
        ],
    )(input.T, tgt)
    return jnp.sum(parts)

# --- scband reference (transcript-rebuilt; emitter-appended) ---
"""Pipeline reference for scband-lmcriterion-6468220748125 (READ-ONLY COPY).

The authoritative reference and input builder live on the scoring server;
editing this copy changes nothing except your own understanding.
"""

import jax, jax.numpy as jnp
import numpy as np

B = 4096
V = 100000

def setup_inputs(seed: int = 0) -> dict:
    key = jax.random.key(seed)
    k1, k2 = jax.random.split(key)
    inp = jax.random.normal(k1, (B, V), dtype=jnp.float32)
    target = jax.random.randint(k2, (B, 1), 0, V, dtype=jnp.int64) if jax.config.jax_enable_x64 else jax.random.randint(k2, (B, 1), 0, V).astype(jnp.int32)
    return {"input": inp, "target": target}

def reference(input, target):
    # torch.gather(input, 1, target) -> take_along_axis on axis 1
    logprob_select = jnp.take_along_axis(input, target, axis=1)
    # mask = target > 0; masked_select + sum == sum of masked entries
    mask = target > 0
    out = jnp.where(mask, logprob_select, 0.0)
    loss = -jnp.sum(out)
    return loss

if __name__ == "__main__":
    import jax
    _d = setup_inputs()
    print(jax.jit(kernel)(*tuple(_d.values())))

</pallas_src>

<mosaic_0001>
#map = affine_map<(d0, d1) -> (0, 0)>
#map1 = affine_map<(d0, d1) -> (0)>
module attributes {stable_mosaic.version = 14 : i64} {
  func.func @_sc_body(%arg0: i32, %arg1: i32, %arg2: memref<100000x4096xf32, #tpu.memory_space<hbm>>, %arg3: memref<4096xi32, #tpu.memory_space<hbm>>, %arg4: memref<32x16xf32, #tpu.memory_space<hbm>>, %arg5: memref<128xi32, #tpu.memory_space<vmem>>, %arg6: memref<128x128xf32, #tpu.memory_space<vmem>>, %arg7: memref<16xf32, #tpu.memory_space<vmem>>, %arg8: memref<!tpu.dma_semaphore, #tpu.memory_space<semaphore_mem>>, %arg9: memref<!tpu.dma_semaphore, #tpu.memory_space<semaphore_mem>>, %arg10: memref<!tpu.dma_semaphore, #tpu.memory_space<semaphore_mem>>, %arg11: memref<!tpu.dma_semaphore, #tpu.memory_space<semaphore_mem>>) attributes {dimension_semantics = [#tpu.dimension_semantics<core_parallel>, #tpu.dimension_semantics<subcore_parallel>], iteration_bounds = array<i64: 2, 16>, scalar_prefetch = 0 : i64, scratch_operands = 7 : i64, tpu.core_type = #tpu.core_type<sc_vector_subcore>, window_params = [{transform_indices = #map}, {transform_indices = #map1}, {transform_indices = #map}]} {
    %mul3A = arith.constant 2 : i32
    %mul3A_0 = arith.muli %arg1, %mul3A : i32
    %add3A = arith.addi %mul3A_0, %arg0 : i32
    %mul3A_1 = arith.constant 128 : i32
    %mul3A_2 = arith.muli %add3A, %mul3A_1 : i32
    %multiple_of3A = tpu.assume_multiple %mul3A_2, 128 : i32
    "tpu.region"() ({
      %run_scoped3A = tpu.sem_alloc : memref<!tpu.dma_semaphore, #tpu.memory_space<semaphore_mem>>
      %dma_start3A_181 = tpu.memref_slice %arg3[%multiple_of3A] : memref<4096xi32, #tpu.memory_space<hbm>> -> memref<128xi32, #tpu.memory_space<hbm>>
      %dma_start3A_182 = tpu.memref_slice %arg3[%multiple_of3A] : memref<4096xi32, #tpu.memory_space<hbm>> -> memref<128xi32, #tpu.memory_space<hbm>>
      tpu.enqueue_dma source(%dma_start3A_182 : memref<128xi32, #tpu.memory_space<hbm>>) target(%arg5 : memref<128xi32, #tpu.memory_space<vmem>>) target_semaphore(%run_scoped3A : memref<!tpu.dma_semaphore, #tpu.memory_space<semaphore_mem>>)
      %dma_wait3A_183 = tpu.memref_slice %arg3[%multiple_of3A] : memref<4096xi32, #tpu.memory_space<hbm>> -> memref<128xi32, #tpu.memory_space<hbm>>
      %dma_wait3A_184 = tpu.memref_slice %arg3[%multiple_of3A] : memref<4096xi32, #tpu.memory_space<hbm>> -> memref<128xi32, #tpu.memory_space<hbm>>
      tpu.wait_dma2 semaphore(%run_scoped3A : memref<!tpu.dma_semaphore, #tpu.memory_space<semaphore_mem>>) src(%dma_wait3A_184 : memref<128xi32, #tpu.memory_space<hbm>>) dst(%arg5 : memref<128xi32, #tpu.memory_space<vmem>>)
      tpu.yield
    }) : () -> ()
    %get3A = arith.constant 0 : index
    %get3A_3 = tpu.vector_load %arg5[%get3A] {strides = array<i32>} : memref<128xi32, #tpu.memory_space<vmem>>, vector<16xi32>,
    %get3A_4 = arith.constant 16 : index
    %get3A_5 = tpu.vector_load %arg5[%get3A_4] {strides = array<i32>} : memref<128xi32, #tpu.memory_space<vmem>>, vector<16xi32>,
    %get3A_6 = arith.constant 32 : index
    %get3A_7 = tpu.vector_load %arg5[%get3A_6] {strides = array<i32>} : memref<128xi32, #tpu.memory_space<vmem>>, vector<16xi32>,
    %get3A_8 = arith.constant 48 : index
    %get3A_9 = tpu.vector_load %arg5[%get3A_8] {strides = array<i32>} : memref<128xi32, #tpu.memory_space<vmem>>, vector<16xi32>,
    %get3A_10 = arith.constant 64 : index
    %get3A_11 = tpu.vector_load %arg5[%get3A_10] {strides = array<i32>} : memref<128xi32, #tpu.memory_space<vmem>>, vector<16xi32>,
    %get3A_12 = arith.constant 80 : index
    %get3A_13 = tpu.vector_load %arg5[%get3A_12] {strides = array<i32>} : memref<128xi32, #tpu.memory_space<vmem>>, vector<16xi32>,
    %get3A_14 = arith.constant 96 : index
    %get3A_15 = tpu.vector_load %arg5[%get3A_14] {strides = array<i32>} : memref<128xi32, #tpu.memory_space<vmem>>, vector<16xi32>,
    %get3A_16 = arith.constant 112 : index
    %get3A_17 = tpu.vector_load %arg5[%get3A_16] {strides = array<i32>} : memref<128xi32, #tpu.memory_space<vmem>>, vector<16xi32>,
    %dma_start3A = arith.constant 0 : i32
    %dma_start3A_18 = arith.constant 0 : i32
    %dma_start3A_19 = tpu.memref_slice %arg6[%dma_start3A, %dma_start3A_18] : memref<128x128xf32, #tpu.memory_space<vmem>> -> memref<16x128xf32, #tpu.memory_space<vmem>>
    %dma_start3A_20 = arith.constant 0 : i32
    %dma_start3A_21 = tpu.memref_slice %arg2[%dma_start3A_20, %multiple_of3A] : memref<100000x4096xf32, #tpu.memory_space<hbm>> -> memref<100000x128xf32, #tpu.memory_space<hbm>>
    tpu.enqueue_indirect_dma source(%dma_start3A_21 : memref<100000x128xf32, #tpu.memory_space<hbm>>) target(%dma_start3A_19 : memref<16x128xf32, #tpu.memory_space<vmem>>) offsets(%get3A_3 : vector<16xi32>) semaphore(%arg8 : memref<!tpu.dma_semaphore, #tpu.memory_space<semaphore_mem>>)
    %dma_start3A_22 = arith.constant 16 : i32
    %dma_start3A_23 = arith.constant 0 : i32
    %dma_start3A_24 = tpu.memref_slice %arg6[%dma_start3A_22, %dma_start3A_23] : memref<128x128xf32, #tpu.memory_space<vmem>> -> memref<16x128xf32, #tpu.memory_space<vmem>>
    %dma_start3A_25 = arith.constant 0 : i32
    %dma_start3A_26 = tpu.memref_slice %arg2[%dma_start3A_25, %multiple_of3A] : memref<100000x4096xf32, #tpu.memory_space<hbm>> -> memref<100000x128xf32, #tpu.memory_space<hbm>>
    tpu.enqueue_indirect_dma source(%dma_start3A_26 : memref<100000x128xf32, #tpu.memory_space<hbm>>) target(%dma_start3A_24 : memref<16x128xf32, #tpu.memory_space<vmem>>) offsets(%get3A_5 : vector<16xi32>) semaphore(%arg8 : memref<!tpu.dma_semaphore, #tpu.memory_space<semaphore_mem>>)
    %dma_start3A_27 = arith.constant 32 : i32
    %dma_start3A_28 = arith.constant 0 : i32
    %dma_start3A_29 = tpu.memref_slice %arg6[%dma_start3A_27, %dma_start3A_28] : memref<128x128xf32, #tpu.memory_space<vmem>> -> memref<16x128xf32, #tpu.memory_space<vmem>>
    %dma_start3A_30 = arith.constant 0 : i32
    %dma_start3A_31 = tpu.memref_slice %arg2[%dma_start3A_30, %multiple_of3A] : memref<100000x4096xf32, #tpu.memory_space<hbm>> -> memref<100000x128xf32, #tpu.memory_space<hbm>>
    tpu.enqueue_indirect_dma source(%dma_start3A_31 : memref<100000x128xf32, #tpu.memory_space<hbm>>) target(%dma_start3A_29 : memref<16x128xf32, #tpu.memory_space<vmem>>) offsets(%get3A_7 : vector<16xi32>) semaphore(%arg9 : memref<!tpu.dma_semaphore, #tpu.memory_space<semaphore_mem>>)
    %dma_start3A_32 = arith.constant 48 : i32
    %dma_start3A_33 = arith.constant 0 : i32
    %dma_start3A_34 = tpu.memref_slice %arg6[%dma_start3A_32, %dma_start3A_33] : memref<128x128xf32, #tpu.memory_space<vmem>> -> memref<16x128xf32, #tpu.memory_space<vmem>>
    %dma_start3A_35 = arith.constant 0 : i32
    %dma_start3A_36 = tpu.memref_slice %arg2[%dma_start3A_35, %multiple_of3A] : memref<100000x4096xf32, #tpu.memory_space<hbm>> -> memref<100000x128xf32, #tpu.memory_space<hbm>>
    tpu.enqueue_indirect_dma source(%dma_start3A_36 : memref<100000x128xf32, #tpu.memory_space<hbm>>) target(%dma_start3A_34 : memref<16x128xf32, #tpu.memory_space<vmem>>) offsets(%get3A_9 : vector<16xi32>) semaphore(%arg9 : memref<!tpu.dma_semaphore, #tpu.memory_space<semaphore_mem>>)
    %dma_start3A_37 = arith.constant 64 : i32
    %dma_start3A_38 = arith.constant 0 : i32
    %dma_start3A_39 = tpu.memref_slice %arg6[%dma_start3A_37, %dma_start3A_38] : memref<128x128xf32, #tpu.memory_space<vmem>> -> memref<16x128xf32, #tpu.memory_space<vmem>>
    %dma_start3A_40 = arith.constant 0 : i32
    %dma_start3A_41 = tpu.memref_slice %arg2[%dma_start3A_40, %multiple_of3A] : memref<100000x4096xf32, #tpu.memory_space<hbm>> -> memref<100000x128xf32, #tpu.memory_space<hbm>>
    tpu.enqueue_indirect_dma source(%dma_start3A_41 : memref<100000x128xf32, #tpu.memory_space<hbm>>) target(%dma_start3A_39 : memref<16x128xf32, #tpu.memory_space<vmem>>) offsets(%get3A_11 : vector<16xi32>) semaphore(%arg10 : memref<!tpu.dma_semaphore, #tpu.memory_space<semaphore_mem>>)
    %dma_start3A_42 = arith.constant 80 : i32
    %dma_start3A_43 = arith.constant 0 : i32
    %dma_start3A_44 = tpu.memref_slice %arg6[%dma_start3A_42, %dma_start3A_43] : memref<128x128xf32, #tpu.memory_space<vmem>> -> memref<16x128xf32, #tpu.memory_space<vmem>>
    %dma_start3A_45 = arith.constant 0 : i32
    %dma_start3A_46 = tpu.memref_slice %arg2[%dma_start3A_45, %multiple_of3A] : memref<100000x4096xf32, #tpu.memory_space<hbm>> -> memref<100000x128xf32, #tpu.memory_space<hbm>>
    tpu.enqueue_indirect_dma source(%dma_start3A_46 : memref<100000x128xf32, #tpu.memory_space<hbm>>) target(%dma_start3A_44 : memref<16x128xf32, #tpu.memory_space<vmem>>) offsets(%get3A_13 : vector<16xi32>) semaphore(%arg10 : memref<!tpu.dma_semaphore, #tpu.memory_space<semaphore_mem>>)
    %dma_start3A_47 = arith.constant 96 : i32
    %dma_start3A_48 = arith.constant 0 : i32
    %dma_start3A_49 = tpu.memref_slice %arg6[%dma_start3A_47, %dma_start3A_48] : memref<128x128xf32, #tpu.memory_space<vmem>> -> memref<16x128xf32, #tpu.memory_space<vmem>>
    %dma_start3A_50 = arith.constant 0 : i32
    %dma_start3A_51 = tpu.memref_slice %arg2[%dma_start3A_50, %multiple_of3A] : memref<100000x4096xf32, #tpu.memory_space<hbm>> -> memref<100000x128xf32, #tpu.memory_space<hbm>>
    tpu.enqueue_indirect_dma source(%dma_start3A_51 : memref<100000x128xf32, #tpu.memory_space<hbm>>) target(%dma_start3A_49 : memref<16x128xf32, #tpu.memory_space<vmem>>) offsets(%get3A_15 : vector<16xi32>) semaphore(%arg11 : memref<!tpu.dma_semaphore, #tpu.memory_space<semaphore_mem>>)
    %dma_start3A_52 = arith.constant 112 : i32
    %dma_start3A_53 = arith.constant 0 : i32
    %dma_start3A_54 = tpu.memref_slice %arg6[%dma_start3A_52, %dma_start3A_53] : memref<128x128xf32, #tpu.memory_space<vmem>> -> memref<16x128xf32, #tpu.memory_space<vmem>>
    %dma_start3A_55 = arith.constant 0 : i32
    %dma_start3A_56 = tpu.memref_slice %arg2[%dma_start3A_55, %multiple_of3A] : memref<100000x4096xf32, #tpu.memory_space<hbm>> -> memref<100000x128xf32, #tpu.memory_space<hbm>>
    tpu.enqueue_indirect_dma source(%dma_start3A_56 : memref<100000x128xf32, #tpu.memory_space<hbm>>) target(%dma_start3A_54 : memref<16x128xf32, #tpu.memory_space<vmem>>) offsets(%get3A_17 : vector<16xi32>) semaphore(%arg11 : memref<!tpu.dma_semaphore, #tpu.memory_space<semaphore_mem>>)
    %iota3A = tpu.iota {dimensions = array<i32: 0>} : vector<16xi32>
    %broadcast_in_dim3A = arith.constant 0.000000e+00 : f32
    %broadcast_in_dim3A_57 = vector.broadcast %broadcast_in_dim3A : f32 to vector<16xf32>
    %dma_wait3A = arith.constant 0 : i32
    %dma_wait3A_58 = arith.constant 0 : i32
    %dma_wait3A_59 = tpu.memref_slice %arg6[%dma_wait3A, %dma_wait3A_58] : memref<128x128xf32, #tpu.memory_space<vmem>> -> memref<16x128xf32, #tpu.memory_space<vmem>>
    %dma_wait3A_60 = arith.constant 0 : i32
    %dma_wait3A_61 = tpu.memref_slice %arg2[%dma_wait3A_60, %multiple_of3A] : memref<100000x4096xf32, #tpu.memory_space<hbm>> -> memref<100000x128xf32, #tpu.memory_space<hbm>>
    tpu.wait_indirect_dma semaphore(%arg8 : memref<!tpu.dma_semaphore, #tpu.memory_space<semaphore_mem>>) src(%dma_wait3A_61 : memref<100000x128xf32, #tpu.memory_space<hbm>>) dst(%dma_wait3A_59 : memref<16x128xf32, #tpu.memory_space<vmem>>)
    %dma_wait3A_62 = arith.constant 16 : i32
    %dma_wait3A_63 = arith.constant 0 : i32
    %dma_wait3A_64 = tpu.memref_slice %arg6[%dma_wait3A_62, %dma_wait3A_63] : memref<128x128xf32, #tpu.memory_space<vmem>> -> memref<16x128xf32, #tpu.memory_space<vmem>>
    %dma_wait3A_65 = arith.constant 0 : i32
    %dma_wait3A_66 = tpu.memref_slice %arg2[%dma_wait3A_65, %multiple_of3A] : memref<100000x4096xf32, #tpu.memory_space<hbm>> -> memref<100000x128xf32, #tpu.memory_space<hbm>>
    tpu.wait_indirect_dma semaphore(%arg8 : memref<!tpu.dma_semaphore, #tpu.memory_space<semaphore_mem>>) src(%dma_wait3A_66 : memref<100000x128xf32, #tpu.memory_space<hbm>>) dst(%dma_wait3A_64 : memref<16x128xf32, #tpu.memory_space<vmem>>)
    %add3A_67 = arith.constant 0 : i32
    %add3A_68 = vector.broadcast %add3A_67 : i32 to vector<16xi32>
    %add3A_69 = arith.addi %iota3A, %add3A_68 : vector<16xi32>
    %gather3A = tpu.vector_load_idx %arg6[%add3A_69, %add3A_69] : memref<128x128xf32, #tpu.memory_space<vmem>>[vector<16xi32>, vector<16xi32>], vector<16xf32>,
    %gt3A = arith.constant 0 : i32
    %gt3A_70 = vector.broadcast %gt3A : i32 to vector<16xi32>
    %gt3A_71 = arith.cmpi sgt, %get3A_3, %gt3A_70 : vector<16xi32>
    %jit3A = arith.constant 0.000000e+00 : f32
    %broadcast_in_dim3A_72 = vector.broadcast %jit3A : f32 to vector<16xf32>
    %select_n3A = arith.select %gt3A_71, %gather3A, %broadcast_in_dim3A_72 : vector<16xi1>, vector<16xf32>
    %sub3A = arith.subf %broadcast_in_dim3A_57, %select_n3A : vector<16xf32>
    %add3A_73 = arith.constant 16 : i32
    %add3A_74 = vector.broadcast %add3A_73 : i32 to vector<16xi32>
    %add3A_75 = arith.addi %iota3A, %add3A_74 : vector<16xi32>
    %gather3A_76 = tpu.vector_load_idx %arg6[%add3A_75, %add3A_75] : memref<128x128xf32, #tpu.memory_space<vmem>>[vector<16xi32>, vector<16xi32>], vector<16xf32>,
    %gt3A_77 = arith.constant 0 : i32
    %gt3A_78 = vector.broadcast %gt3A_77 : i32 to vector<16xi32>
    %gt3A_79 = arith.cmpi sgt, %get3A_5, %gt3A_78 : vector<16xi32>
    %jit3A_80 = arith.constant 0.000000e+00 : f32
    %broadcast_in_dim3A_81 = vector.broadcast %jit3A_80 : f32 to vector<16xf32>
    %select_n3A_82 = arith.select %gt3A_79, %gather3A_76, %broadcast_in_dim3A_81 : vector<16xi1>, vector<16xf32>
    %sub3A_83 = arith.subf %sub3A, %select_n3A_82 : vector<16xf32>
    %dma_wait3A_84 = arith.constant 32 : i32
    %dma_wait3A_85 = arith.constant 0 : i32
    %dma_wait3A_86 = tpu.memref_slice %arg6[%dma_wait3A_84, %dma_wait3A_85] : memref<128x128xf32, #tpu.memory_space<vmem>> -> memref<16x128xf32, #tpu.memory_space<vmem>>
    %dma_wait3A_87 = arith.constant 0 : i32
    %dma_wait3A_88 = tpu.memref_slice %arg2[%dma_wait3A_87, %multiple_of3A] : memref<100000x4096xf32, #tpu.memory_space<hbm>> -> memref<100000x128xf32, #tpu.memory_space<hbm>>
    tpu.wait_indirect_dma semaphore(%arg9 : memref<!tpu.dma_semaphore, #tpu.memory_space<semaphore_mem>>) src(%dma_wait3A_88 : memref<100000x128xf32, #tpu.memory_space<hbm>>) dst(%dma_wait3A_86 : memref<16x128xf32, #tpu.memory_space<vmem>>)
    %dma_wait3A_89 = arith.constant 48 : i32
    %dma_wait3A_90 = arith.constant 0 : i32
    %dma_wait3A_91 = tpu.memref_slice %arg6[%dma_wait3A_89, %dma_wait3A_90] : memref<128x128xf32, #tpu.memory_space<vmem>> -> memref<16x128xf32, #tpu.memory_space<vmem>>
    %dma_wait3A_92 = arith.constant 0 : i32
    %dma_wait3A_93 = tpu.memref_slice %arg2[%dma_wait3A_92, %multiple_of3A] : memref<100000x4096xf32, #tpu.memory_space<hbm>> -> memref<100000x128xf32, #tpu.memory_space<hbm>>
    tpu.wait_indirect_dma semaphore(%arg9 : memref<!tpu.dma_semaphore, #tpu.memory_space<semaphore_mem>>) src(%dma_wait3A_93 : memref<100000x128xf32, #tpu.memory_space<hbm>>) dst(%dma_wait3A_91 : memref<16x128xf32, #tpu.memory_space<vmem>>)
    %add3A_94 = arith.constant 32 : i32
    %add3A_95 = vector.broadcast %add3A_94 : i32 to vector<16xi32>
    %add3A_96 = arith.addi %iota3A, %add3A_95 : vector<16xi32>
    %gather3A_97 = tpu.vector_load_idx %arg6[%add3A_96, %add3A_96] : memref<128x128xf32, #tpu.memory_space<vmem>>[vector<16xi32>, vector<16xi32>], vector<16xf32>,
    %gt3A_98 = arith.constant 0 : i32
    %gt3A_99 = vector.broadcast %gt3A_98 : i32 to vector<16xi32>
    %gt3A_100 = arith.cmpi sgt, %get3A_7, %gt3A_99 : vector<16xi32>
    %jit3A_101 = arith.constant 0.000000e+00 : f32
    %broadcast_in_dim3A_102 = vector.broadcast %jit3A_101 : f32 to vector<16xf32>
    %select_n3A_103 = arith.select %gt3A_100, %gather3A_97, %broadcast_in_dim3A_102 : vector<16xi1>, vector<16xf32>
    %sub3A_104 = arith.subf %sub3A_83, %select_n3A_103 : vector<16xf32>
    %add3A_105 = arith.constant 48 : i32
    %add3A_106 = vector.broadcast %add3A_105 : i32 to vector<16xi32>
    %add3A_107 = arith.addi %iota3A, %add3A_106 : vector<16xi32>
    %gather3A_108 = tpu.vector_load_idx %arg6[%add3A_107, %add3A_107] : memref<128x128xf32, #tpu.memory_space<vmem>>[vector<16xi32>, vector<16xi32>], vector<16xf32>,
    %gt3A_109 = arith.constant 0 : i32
    %gt3A_110 = vector.broadcast %gt3A_109 : i32 to vector<16xi32>
    %gt3A_111 = arith.cmpi sgt, %get3A_9, %gt3A_110 : vector<16xi32>
    %jit3A_112 = arith.constant 0.000000e+00 : f32
    %broadcast_in_dim3A_113 = vector.broadcast %jit3A_112 : f32 to vector<16xf32>
    %select_n3A_114 = arith.select %gt3A_111, %gather3A_108, %broadcast_in_dim3A_113 : vector<16xi1>, vector<16xf32>
    %sub3A_115 = arith.subf %sub3A_104, %select_n3A_114 : vector<16xf32>
    %dma_wait3A_116 = arith.constant 64 : i32
    %dma_wait3A_117 = arith.constant 0 : i32
    %dma_wait3A_118 = tpu.memref_slice %arg6[%dma_wait3A_116, %dma_wait3A_117] : memref<128x128xf32, #tpu.memory_space<vmem>> -> memref<16x128xf32, #tpu.memory_space<vmem>>
    %dma_wait3A_119 = arith.constant 0 : i32
    %dma_wait3A_120 = tpu.memref_slice %arg2[%dma_wait3A_119, %multiple_of3A] : memref<100000x4096xf32, #tpu.memory_space<hbm>> -> memref<100000x128xf32, #tpu.memory_space<hbm>>
    tpu.wait_indirect_dma semaphore(%arg10 : memref<!tpu.dma_semaphore, #tpu.memory_space<semaphore_mem>>) src(%dma_wait3A_120 : memref<100000x128xf32, #tpu.memory_space<hbm>>) dst(%dma_wait3A_118 : memref<16x128xf32, #tpu.memory_space<vmem>>)
    %dma_wait3A_121 = arith.constant 80 : i32
    %dma_wait3A_122 = arith.constant 0 : i32
    %dma_wait3A_123 = tpu.memref_slice %arg6[%dma_wait3A_121, %dma_wait3A_122] : memref<128x128xf32, #tpu.memory_space<vmem>> -> memref<16x128xf32, #tpu.memory_space<vmem>>
    %dma_wait3A_124 = arith.constant 0 : i32
    %dma_wait3A_125 = tpu.memref_slice %arg2[%dma_wait3A_124, %multiple_of3A] : memref<100000x4096xf32, #tpu.memory_space<hbm>> -> memref<100000x128xf32, #tpu.memory_space<hbm>>
    tpu.wait_indirect_dma semaphore(%arg10 : memref<!tpu.dma_semaphore, #tpu.memory_space<semaphore_mem>>) src(%dma_wait3A_125 : memref<100000x128xf32, #tpu.memory_space<hbm>>) dst(%dma_wait3A_123 : memref<16x128xf32, #tpu.memory_space<vmem>>)
    %add3A_126 = arith.constant 64 : i32
    %add3A_127 = vector.broadcast %add3A_126 : i32 to vector<16xi32>
    %add3A_128 = arith.addi %iota3A, %add3A_127 : vector<16xi32>
    %gather3A_129 = tpu.vector_load_idx %arg6[%add3A_128, %add3A_128] : memref<128x128xf32, #tpu.memory_space<vmem>>[vector<16xi32>, vector<16xi32>], vector<16xf32>,
    %gt3A_130 = arith.constant 0 : i32
    %gt3A_131 = vector.broadcast %gt3A_130 : i32 to vector<16xi32>
    %gt3A_132 = arith.cmpi sgt, %get3A_11, %gt3A_131 : vector<16xi32>
    %jit3A_133 = arith.constant 0.000000e+00 : f32
    %broadcast_in_dim3A_134 = vector.broadcast %jit3A_133 : f32 to vector<16xf32>
    %select_n3A_135 = arith.select %gt3A_132, %gather3A_129, %broadcast_in_dim3A_134 : vector<16xi1>, vector<16xf32>
    %sub3A_136 = arith.subf %sub3A_115, %select_n3A_135 : vector<16xf32>
    %add3A_137 = arith.constant 80 : i32
    %add3A_138 = vector.broadcast %add3A_137 : i32 to vector<16xi32>
    %add3A_139 = arith.addi %iota3A, %add3A_138 : vector<16xi32>
    %gather3A_140 = tpu.vector_load_idx %arg6[%add3A_139, %add3A_139] : memref<128x128xf32, #tpu.memory_space<vmem>>[vector<16xi32>, vector<16xi32>], vector<16xf32>,
    %gt3A_141 = arith.constant 0 : i32
    %gt3A_142 = vector.broadcast %gt3A_141 : i32 to vector<16xi32>
    %gt3A_143 = arith.cmpi sgt, %get3A_13, %gt3A_142 : vector<16xi32>
    %jit3A_144 = arith.constant 0.000000e+00 : f32
    %broadcast_in_dim3A_145 = vector.broadcast %jit3A_144 : f32 to vector<16xf32>
    %select_n3A_146 = arith.select %gt3A_143, %gather3A_140, %broadcast_in_dim3A_145 : vector<16xi1>, vector<16xf32>
    %sub3A_147 = arith.subf %sub3A_136, %select_n3A_146 : vector<16xf32>
    %dma_wait3A_148 = arith.constant 96 : i32
    %dma_wait3A_149 = arith.constant 0 : i32
    %dma_wait3A_150 = tpu.memref_slice %arg6[%dma_wait3A_148, %dma_wait3A_149] : memref<128x128xf32, #tpu.memory_space<vmem>> -> memref<16x128xf32, #tpu.memory_space<vmem>>
    %dma_wait3A_151 = arith.constant 0 : i32
    %dma_wait3A_152 = tpu.memref_slice %arg2[%dma_wait3A_151, %multiple_of3A] : memref<100000x4096xf32, #tpu.memory_space<hbm>> -> memref<100000x128xf32, #tpu.memory_space<hbm>>
    tpu.wait_indirect_dma semaphore(%arg11 : memref<!tpu.dma_semaphore, #tpu.memory_space<semaphore_mem>>) src(%dma_wait3A_152 : memref<100000x128xf32, #tpu.memory_space<hbm>>) dst(%dma_wait3A_150 : memref<16x128xf32, #tpu.memory_space<vmem>>)
    %dma_wait3A_153 = arith.constant 112 : i32
    %dma_wait3A_154 = arith.constant 0 : i32
    %dma_wait3A_155 = tpu.memref_slice %arg6[%dma_wait3A_153, %dma_wait3A_154] : memref<128x128xf32, #tpu.memory_space<vmem>> -> memref<16x128xf32, #tpu.memory_space<vmem>>
    %dma_wait3A_156 = arith.constant 0 : i32
    %dma_wait3A_157 = tpu.memref_slice %arg2[%dma_wait3A_156, %multiple_of3A] : memref<100000x4096xf32, #tpu.memory_space<hbm>> -> memref<100000x128xf32, #tpu.memory_space<hbm>>
    tpu.wait_indirect_dma semaphore(%arg11 : memref<!tpu.dma_semaphore, #tpu.memory_space<semaphore_mem>>) src(%dma_wait3A_157 : memref<100000x128xf32, #tpu.memory_space<hbm>>) dst(%dma_wait3A_155 : memref<16x128xf32, #tpu.memory_space<vmem>>)
    %add3A_158 = arith.constant 96 : i32
    %add3A_159 = vector.broadcast %add3A_158 : i32 to vector<16xi32>
    %add3A_160 = arith.addi %iota3A, %add3A_159 : vector<16xi32>
    %gather3A_161 = tpu.vector_load_idx %arg6[%add3A_160, %add3A_160] : memref<128x128xf32, #tpu.memory_space<vmem>>[vector<16xi32>, vector<16xi32>], vector<16xf32>,
    %gt3A_162 = arith.constant 0 : i32
    %gt3A_163 = vector.broadcast %gt3A_162 : i32 to vector<16xi32>
    %gt3A_164 = arith.cmpi sgt, %get3A_15, %gt3A_163 : vector<16xi32>
    %jit3A_165 = arith.constant 0.000000e+00 : f32
    %broadcast_in_dim3A_166 = vector.broadcast %jit3A_165 : f32 to vector<16xf32>
    %select_n3A_167 = arith.select %gt3A_164, %gather3A_161, %broadcast_in_dim3A_166 : vector<16xi1>, vector<16xf32>
    %sub3A_168 = arith.subf %sub3A_147, %select_n3A_167 : vector<16xf32>
    %add3A_169 = arith.constant 112 : i32
    %add3A_170 = vector.broadcast %add3A_169 : i32 to vector<16xi32>
    %add3A_171 = arith.addi %iota3A, %add3A_170 : vector<16xi32>
    %gather3A_172 = tpu.vector_load_idx %arg6[%add3A_171, %add3A_171] : memref<128x128xf32, #tpu.memory_space<vmem>>[vector<16xi32>, vector<16xi32>], vector<16xf32>,
    %gt3A_173 = arith.constant 0 : i32
    %gt3A_174 = vector.broadcast %gt3A_173 : i32 to vector<16xi32>
    %gt3A_175 = arith.cmpi sgt, %get3A_17, %gt3A_174 : vector<16xi32>
    %jit3A_176 = arith.constant 0.000000e+00 : f32
    %broadcast_in_dim3A_177 = vector.broadcast %jit3A_176 : f32 to vector<16xf32>
    %select_n3A_178 = arith.select %gt3A_175, %gather3A_172, %broadcast_in_dim3A_177 : vector<16xi1>, vector<16xf32>
    %sub3A_179 = arith.subf %sub3A_168, %select_n3A_178 : vector<16xf32>
    %swap3A = arith.constant 0 : index
    %swap3A_180 = tpu.vector_load %arg7[%swap3A] {strides = array<i32>} : memref<16xf32, #tpu.memory_space<vmem>>, vector<16xf32>,
    tpu.vector_store %arg7[%swap3A], %sub3A_179 {strides = array<i32>} : memref<16xf32, #tpu.memory_space<vmem>>, vector<16xf32>,
    "tpu.region"() ({
      %run_scoped3A = tpu.sem_alloc : memref<!tpu.dma_semaphore, #tpu.memory_space<semaphore_mem>>
      %dma_start3A_181 = arith.constant 0 : i32
      %dma_start3A_182 = tpu.memref_slice %arg4[%add3A, %dma_start3A_181] : memref<32x16xf32, #tpu.memory_space<hbm>> -> memref<1x16xf32, #tpu.memory_space<hbm>>
      %dma_start3A_183 = tpu.memref_squeeze %dma_start3A_182 : memref<1x16xf32, #tpu.memory_space<hbm>> -> memref<16xf32, #tpu.memory_space<hbm>>
      %dma_start3A_184 = arith.constant 0 : i32
      %dma_start3A_185 = tpu.memref_slice %arg4[%add3A, %dma_start3A_184] : memref<32x16xf32, #tpu.memory_space<hbm>> -> memref<1x16xf32, #tpu.memory_space<hbm>>
      %dma_start3A_186 = tpu.memref_squeeze %dma_start3A_185 : memref<1x16xf32, #tpu.memory_space<hbm>> -> memref<16xf32, #tpu.memory_space<hbm>>
      tpu.enqueue_dma source(%arg7 : memref<16xf32, #tpu.memory_space<vmem>>) target(%dma_start3A_186 : memref<16xf32, #tpu.memory_space<hbm>>) target_semaphore(%run_scoped3A : memref<!tpu.dma_semaphore, #tpu.memory_space<semaphore_mem>>)
      %dma_wait3A_187 = arith.constant 0 : i32
      %dma_wait3A_188 = tpu.memref_slice %arg4[%add3A, %dma_wait3A_187] : memref<32x16xf32, #tpu.memory_space<hbm>> -> memref<1x16xf32, #tpu.memory_space<hbm>>
      %dma_wait3A_189 = tpu.memref_squeeze %dma_wait3A_188 : memref<1x16xf32, #tpu.memory_space<hbm>> -> memref<16xf32, #tpu.memory_space<hbm>>
      %dma_wait3A_190 = arith.constant 0 : i32
      %dma_wait3A_191 = tpu.memref_slice %arg4[%add3A, %dma_wait3A_190] : memref<32x16xf32, #tpu.memory_space<hbm>> -> memref<1x16xf32, #tpu.memory_space<hbm>>
      %dma_wait3A_192 = tpu.memref_squeeze %dma_wait3A_191 : memref<1x16xf32, #tpu.memory_space<hbm>> -> memref<16xf32, #tpu.memory_space<hbm>>
      tpu.wait_dma2 semaphore(%run_scoped3A : memref<!tpu.dma_semaphore, #tpu.memory_space<semaphore_mem>>) src(%arg7 : memref<16xf32, #tpu.memory_space<vmem>>) dst(%dma_wait3A_192 : memref<16xf32, #tpu.memory_space<hbm>>)
      tpu.yield
    }) : () -> ()
    return
  }
}

</mosaic_0001>

<sc_bundles>
// kernel: kernel.3.cloned.1.call-start
scs
__scs_entry_jumppad:
0x0: {  	(pc) =	sbr.rel $0x88, $3  }
0x1: {  	(tag) =	ssettag $0x0;
	lr =	simm.s32 $0x1  }
0x2: {  	[smem:$0x3F9F] =	sst lr;
	_ =	strace $0xD0000000  }
0x3: {  	_ = 	snop  }
0x4: {  	_ = 	snop  }
0x5: {  	_ = 	snop  }
0x6: {  	_ = 	snop  }
0x7: {  	_ = 	snop  }
__scs_overlays_trampoline_lowered:
0x8: {  	[smem:$0x3FAE] =	sst s0  }
0x9: {  	[smem:$0x3FAF] =	sst s1  }
0xa: {  	[smem:$0x3FB0] =	sst s2  }
0xb: {  	[smem:$0x3FB1] =	sst s3  }
0xc: {  	[smem:$0x3FB2] =	sst s4  }
0xd: {  	[smem:$0x3FB3] =	sst s5  }
0xe: {  	[smem:$0x3FB4] =	sst s6  }
0xf: {  	[smem:$0x3FB5] =	sst s7  }
0x10: {  	[smem:$0x3FB6] =	sst s8  }
0x11: {  	[smem:$0x3FB7] =	sst s9;
	s0 =	simm.s32 @!p0 $0x0  }
0x12: {  	s1 =	sld [smem:$0x3F9D];
	s0 =	simm.s32 @p0 $0x1  }
0x13: {  	[smem:$0x3FB8] =	sst s0;
	s0 =	simm.s32 @!p1 $0x0  }
0x14: {  	s2 =	sld [smem:$0x3F9C];
	s0 =	simm.s32 @p1 $0x1  }
0x15: {  	[smem:$0x3FB9] =	sst s0;
	s0 =	simm.s32 @!p2 $0x0  }
0x16: {  	s3 =	sld [smem:$0x3FDB];
	s0 =	simm.s32 @p2 $0x1  }
0x17: {  	s4 =	simm.s32 $0x1BF5;
	[smem:$0x3FBB] =	sst s0  }
0x18: {  	s0 =	sld [smem:$0x3F9E];
	_ =	swait.ge [sflag:s4], $0x0  }
0x19: {  	s7 =	sld [smem:$0x3F9F]  }
0x1a: {  	s8 =	sadd.s32 $0xFFFFE003, lr  }
0x1b: {  	s9 =	sadd.s32 $0xFFFFFEF7, lr;
	s5 =	simm.s32 $0xFFFFFFFF;
	p2 =	slt.u32 s8, $0xFFFFF086  }
0x1c: {  	p1 =	slt.u32 s9, $0xF7A;
	s5 =	simm.s32 @!p2 $0x0  }
0x1d: {  	s5 =	simm.s32 @p1 $0x1;
	p0 =	seq.s32 s7, s2  }
0x1e: {  	s7 =	smul.u32 @!p0 $0xF7A, s2;
	p2 =	seq.s32 @!p0 s5, $0x0  }
0x1f: {  	s9 =	smul.u32 $0xF7A, s1;
	s8 =	simm.s32 @!p0 $0x1BF5;
	p2 =	por !p2, p0  }
0x20: {  	[sflag:s8] =	ssyncset.s32 @!p0 $0xFFFFF086;
	s6 =	sadd.s32 @!p0 s3, s7;
	s7 =	simm.s32 @!p0 $0x108  }
0x21: {  	s3 =	sadd.s32 s3, s9;
	s6 =	sadd.s32 @!p0 $0x88, s6;
	s7 =	simm.s32 @p2 $0x1082  }
0x22: {  	[simem:s7], [sflag:s8] =	dma.local @!p0 [hbm:s6], $0xF7A  }
0x23: {  	s9 =	sor.u32 $0xD0000000, s2;
	s6 =	simm.s32 $0x108;
	_ =	swait.ge @!p0 [sflag:s8], $0x0  }
0x24: {  	s3 =	sadd.s32 $0x88, s3;
	s6 =	simm.s32 @!p1 $0x1082;
	[sflag:s4] =	ssyncset.s32 $0xFFFFF086  }
0x25: {  	[simem:s6], [sflag:s4] =	dma.local [hbm:s3], $0xF7A  }
0x26: {  	[smem:$0x3F9F] =	sst s1;
	(tag) =	ssettag s2;
	_ =	strace s9  }
0x27: {  	s1 =	sld [smem:$0x3FAF]  }
0x28: {  	s2 =	sld [smem:$0x3FB0]  }
0x29: {  	s4 =	sld [smem:$0x3FB2]  }
0x2a: {  	p0 =	seq.s32 s5, $0x0;
	s5 =	sld [smem:$0x3FB3]  }
0x2b: {  	s6 =	sld [smem:$0x3FB4]  }
0x2c: {  	s7 =	sld [smem:$0x3FB5]  }
0x2d: {  	s3 =	simm.s32 $0x108;
	s8 =	sld [smem:$0x3FB6]  }
0x2e: {  	s3 =	simm.s32 @!p0 $0x1082;
	s9 =	sld [smem:$0x3FB7]  }
0x2f: {  	lr =	sadd.s32 s0, s3;
	s0 =	sld [smem:$0x3FAE]  }
0x30: {  	s3 =	sld [smem:$0x3FB1]  }
0x31: {  	[smem:$0x3FBA] =	sst s10  }
0x32: {  	s10 =	sld [smem:$0x3FB8];
	_ =	sdelay $0x3  }
0x33: {  	p0 =	seq.s32 s10, $0x1;
	s10 =	sld [smem:$0x3FBA];
	_ =	sdelay $0x3  }
0x34: {  	[smem:$0x3FBA] =	sst s10  }
0x35: {  	s10 =	sld [smem:$0x3FB9];
	_ =	sdelay $0x3  }
0x36: {  	p1 =	seq.s32 s10, $0x1;
	s10 =	sld [smem:$0x3FBA];
	_ =	sdelay $0x3  }
0x37: {  	[smem:$0x3FBA] =	sst s10  }
0x38: {  	s10 =	sld [smem:$0x3FBB]  }
0x39: {  	_ = 	snop;
	(pc) =	sbr.ind lr, $3  }
0x3a: {  	_ = 	snop  }
0x3b: {  	_ = 	snop  }
0x3c: {  	p2 =	seq.s32 s10, $0x1;
	s10 =	sld [smem:$0x3FBA]  }
0x3d: {  	_ =	shalt  }
0x3e: {  	_ =	shalt  }
0x3f: {  	_ =	shalt  }
0x40: {  	_ =	shalt  }
0x41: {  	_ =	shalt  }
0x42: {  	_ =	shalt  }
0x43: {  	_ =	shalt  }
0x44: {  	_ =	shalt  }
0x45: {  	_ =	shalt  }
0x46: {  	_ =	shalt  }
0x47: {  	_ =	shalt  }
0x48: {  	_ =	shalt  }
0x49: {  	_ =	shalt  }
0x4a: {  	_ =	shalt  }
0x4b: {  	_ =	shalt  }
0x4c: {  	_ =	shalt  }
0x4d: {  	_ =	shalt  }
0x4e: {  	_ =	shalt  }
0x4f: {  	_ =	shalt  }
0x50: {  	_ =	shalt  }
0x51: {  	_ =	shalt  }
0x52: {  	_ =	shalt  }
0x53: {  	_ =	shalt  }
0x54: {  	_ =	shalt  }
0x55: {  	_ =	shalt  }
0x56: {  	_ =	shalt  }
0x57: {  	_ =	shalt  }
0x58: {  	_ =	shalt  }
0x59: {  	_ =	shalt  }
0x5a: {  	_ =	shalt  }
0x5b: {  	_ =	shalt  }
0x5c: {  	_ =	shalt  }
0x5d: {  	_ =	shalt  }
0x5e: {  	_ =	shalt  }
0x5f: {  	_ =	shalt  }
0x60: {  	_ =	shalt  }
0x61: {  	_ =	shalt  }
0x62: {  	_ =	shalt  }
0x63: {  	_ =	shalt  }
0x64: {  	_ =	shalt  }
0x65: {  	_ =	shalt  }
0x66: {  	_ =	shalt  }
0x67: {  	_ =	shalt  }
0x68: {  	_ =	shalt  }
0x69: {  	_ =	shalt  }
0x6a: {  	_ =	shalt  }
0x6b: {  	_ =	shalt  }
0x6c: {  	_ =	shalt  }
0x6d: {  	_ =	shalt  }
0x6e: {  	_ =	shalt  }
0x6f: {  	_ =	shalt  }
0x70: {  	_ =	shalt  }
0x71: {  	_ =	shalt  }
0x72: {  	_ =	shalt  }
0x73: {  	_ =	shalt  }
0x74: {  	_ =	shalt  }
0x75: {  	_ =	shalt  }
0x76: {  	_ =	shalt  }
0x77: {  	_ =	shalt  }
0x78: {  	_ =	shalt  }
0x79: {  	_ =	shalt  }
0x7a: {  	_ =	shalt  }
0x7b: {  	_ =	shalt  }
0x7c: {  	_ =	shalt  }
0x7d: {  	_ =	shalt  }
0x7e: {  	_ =	shalt  }
0x7f: {  	_ =	shalt  }
0x80: {  	_ =	shalt  }
0x81: {  	_ =	shalt  }
0x82: {  	_ =	shalt  }
0x83: {  	_ =	shalt  }
0x84: {  	_ =	shalt  }
0x85: {  	_ =	shalt  }
0x86: {  	_ =	shalt  }
0x87: {  	_ =	shalt  }
.Lfunc_end0:
.L_simem_size_0:
called_computation_lowered:
.L_overlay_start_0:
0x88: {  	s2 =	sld [smem:$0x3FD9]  }
0x89: {  	s3 =	sld [smem:$0x3FFE];
	_ =	sdelay $0x1  }
0x8a: {  	s1 =	srdreg.scid  }
0x8b: {  	s0 =	sand.u32 $0x1, s1  }
0x8c: {  	s17 =	sshll.u32 s0, $0xA;
	s2 =	sadd.s32 s3, s2  }
0x8d: {  	s2 =	sadd.s32 s2, s17  }
0x8e: {  	[smem:$0x3FC6] =	sst s2  }
0x8f: {  	_ = 	snop  }
0x90: {  	s2 =	sld [smem:$0x3FC9]  }
0x91: {  	s18 =	sld [smem:$0x3FC8];
	(tm) =	ssettm $0x1  }
0x92: {  	s4 =	sld [smem:$0x3FFB];
	_ =	sdelay $0x3  }
0x93: {  	_ =	strace s4  }
0x94: {  	s4 =	sld [smem:$0x3FFC];
	_ =	sdelay $0x3  }
0x95: {  	_ =	strace s4  }
0x96: {  	s4 =	sld [smem:$0x3FFD];
	_ =	sdelay $0x3  }
0x97: {  	_ =	strace s4  }
0x98: {  	_ =	strace $0x8FFFFFFF  }
0x99: {  	s19 =	sld [smem:$0x3FDB];
	_ =	sdelay $0x1  }
0x9a: {  	s5 =	simm.s32 $_scs_section_size  }
0x9b: {  	s6 =	simm.s32 $_size__tile_overlayer_lowered;
	s7 =	simm.s32 $_tile_overlayer_lowered  }
0x9c: {  	s22 =	simm.s32 $0x1BFF;
	s21 =	sshll.u32 s7, $0x1;
	s4 =	sadd.s32 s5, s19  }
0x9d: {  	s8 =	simm.s32 $0x0;
	s20 =	sshll.u32 s6, $0x1;
	s6 =	sadd.s32 s21, s4  }
0x9e: {  	[timem:s8], [sflag:s22] =	dma.local [hbm:s6], s20  }
0x9f: {  	_ =	swait.ge [sflag:s22], s20  }
0xa0: {  	s5 =	ssub.s32 $0x0, s20;
	[sflag:s22] =	ssyncset.done $0x0  }
0xa1: {  	[sflag:s22] =	ssyncadd.s32 s5;
	_ =	sdelay $0x1  }
0xa2: {  	s23 =	simm.s32 $0x1B8B  }
0xa3: {  	_ =	swait.ge [sflag:s23], $0x1  }
0xa4: {  	[sflag:s23] =	ssyncset.done $0x0  }
0xa5: {  	s25 =	simm.s32 $0x1B8E;
	s24 =	sld [smem:$0x3FFE];
	[sflag:s23] =	ssyncadd.s32 $0xFFFFFFFF  }
0xa6: {  	s26 =	simm.s32 $execute0_lowered;
	[smem:$0x3FD2] =	sst s25  }
0xa7: {  	s6 =	sshll.u32 s26, $0x1;
	_ =	strace $0x80000046;
	[dreg:$0x1] =	wrdreg $0xFFFFFFFF  }
0xa8: {  	s28 =	simm.s32 $_size_execute0_lowered;
	s4 =	sadd.s32 s4, s6;
	[dreg:$0x0] =	wrdreg $0x0  }
0xa9: {  	s6 =	sshll.u32 s28, $0x1;
	[dreg:$0x2] =	wrdreg s4  }
0xaa: {  	[dreg:$0x3] =	wrdreg s6  }
0xab: {  	[dreg:$0x4] =	wrdreg $0xC0  }
0xac: {  	_ =	task [dreg:s8], $0x5FFFF  }
0xad: {  	[dreg:$0x1] =	wrdreg $0xFFFFFFFF  }
0xae: {  	[dreg:$0x0] =	wrdreg $0x60  }
0xaf: {  	[dreg:$0x2] =	wrdreg s2  }
0xb0: {  	[dreg:$0x3] =	wrdreg s18  }
0xb1: {  	[dreg:$0x4] =	wrdreg s24  }
0xb2: {  	[dreg:$0x5] =	wrdreg $0x9  }
0xb3: {  	_ =	task.clear_ibuf [dreg:s8], $0x6FFFF;
	_ =	strace $0x90000046  }
0xb4: {  	s29 =	simm.s32 $0x9;
	_ =	strace $0x80000048  }
0xb5: {  	_ =	swait.ge [sflag:s29], $0x1  }
0xb6: {  	[sflag:s29] =	ssyncadd.s32 $0xFFFFFFFF  }
0xb7: {  	_ =	strace $0x90000048  }
0xb8: {  	_ =	sfence  }
0xb9: {  	s30 =	sld [smem:$0x0];
	_ =	sdelay $0x2  }
0xba: {  	s31 =	sshll.u32 s1, $0xD;
	s1 =	sshrl.u32 s1, $0x2  }
0xbb: {  	s3 =	sand.u32 $0x4000, s31;
	s1 =	sadd.s32 s1, s30  }
0xbc: {  	s0 =	sor.u32 s3, s0;
	s1 =	sshll.u32 s1, $0x11  }
0xbd: {  	s0 =	sor.u32 s1, s0  }
0xbe: {  	s0 =	sadd.s32 $0x8F2B, s0  }
0xbf: {  	[sflag:s0] =	ssyncadd.remote.s32 $0x1  }
0xc0: {  	_ =	sfence.sel $0xFFFF  }
0xc1: {  	[dreg:$0x0] =	wrdreg $0xFFFFFFFF;
	(pc) =	sbr.abs _section_cstart, $3  }
0xc2: {  	[dreg:$0x1] =	wrdreg $0xFFFFFFFF  }
0xc3: {  	_ =	task.clear_ibuf [dreg:s8], $0x2FFFF;
	_ =	strace $0x9FFFFFFF  }
0xc4: {  	(tm) =	ssettm $0x7FFFFFFF  }
0xc5: {  	_ =	shalt  }
tec
execute0_lowered:
.L_overlay_start_1:
0x0: {  	(tag) =	ssettag $0x1  }
0x1: {  	s1 =	rddreg [dreg:$0x0]  }
0x2: {  	s5 =	rddreg [dreg:$0x1];
	s2 =	srdreg.scid  }
0x3: {  	s6 =	rddreg [dreg:$0x2];
	s4 =	sand.u32 $0x1, s2;
	s2 =	simm.s32 $0x0  }
0x4: {  	s8 =	simm.s32 $0x180;
	[smem:$0x7FF] =	sst s2  }
0x5: {  	s9 =	simm.s32 $0x200;
	_ =	strace $0x80000047;
	[dreg:$0x7] =	wrdreg s8  }
0x6: {  	s10 =	simm.s32 $0x280;
	[dreg:$0x8] =	wrdreg s9  }
0x7: {  	s11 =	simm.s32 $0x300;
	[dreg:$0x9] =	wrdreg s10  }
0x8: {  	s12 =	simm.s32 $0x380;
	[dreg:$0xa] =	wrdreg s11  }
0x9: {  	s13 =	simm.s32 $0x400;
	[dreg:$0xb] =	wrdreg s12  }
0xa: {  	s14 =	simm.s32 $0x480;
	[dreg:$0xc] =	wrdreg s13  }
0xb: {  	s15 =	simm.s32 $0x500;
	[dreg:$0xd] =	wrdreg s14  }
0xc: {  	s16 =	simm.s32 $0x580;
	[dreg:$0xe] =	wrdreg s15  }
0xd: {  	s17 =	simm.s32 $0x600;
	[dreg:$0xf] =	wrdreg s16  }
0xe: {  	s18 =	simm.s32 $0x680;
	[dreg:$0x10] =	wrdreg s17  }
0xf: {  	s19 =	simm.s32 $0x700;
	[dreg:$0x11] =	wrdreg s18  }
0x10: {  	s20 =	simm.s32 $0x780;
	[dreg:$0x12] =	wrdreg s19  }
0x11: {  	s21 =	simm.s32 $0x800;
	[dreg:$0x13] =	wrdreg s20  }
0x12: {  	s22 =	simm.s32 $0x880;
	[dreg:$0x14] =	wrdreg s21  }
0x13: {  	s23 =	simm.s32 $0x900;
	[dreg:$0x15] =	wrdreg s22  }
0x14: {  	s24 =	simm.s32 $0x980;
	[dreg:$0x16] =	wrdreg s23  }
0x15: {  	s25 =	simm.s32 $0xA00;
	[dreg:$0x17] =	wrdreg s24  }
0x16: {  	s0 =	stileid.u32;
	s26 =	simm.s32 $0xA80;
	[dreg:$0x18] =	wrdreg s25  }
0x17: {  	s3 =	sshll.u32 s0, $0x1;
	s0 =	simm.s32 $0xB00;
	[dreg:$0x19] =	wrdreg s26  }
0x18: {  	[dreg:$0x1a] =	wrdreg s0;
	s8 =	simm.s32 $0xC80  }
0x19: {  	s9 =	simm.s32 $0xD00;
	[dreg:$0x1d] =	wrdreg s8  }
0x1a: {  	s10 =	simm.s32 $0xD80;
	[dreg:$0x1e] =	wrdreg s9  }
0x1b: {  	s11 =	simm.s32 $0xE00;
	[dreg:$0x1f] =	wrdreg s10  }
0x1c: {  	s12 =	simm.s32 $0xE80;
	[smem:$0x7AD] =	sst s11  }
0x1d: {  	s13 =	simm.s32 $0xF00;
	[smem:$0x7AE] =	sst s12  }
0x1e: {  	s14 =	simm.s32 $0xF80;
	[smem:$0x7AF] =	sst s13  }
0x1f: {  	s15 =	simm.s32 $0x1000;
	[smem:$0x7B0] =	sst s14  }
0x20: {  	s16 =	simm.s32 $0x1080;
	[smem:$0x7B1] =	sst s15  }
0x21: {  	s17 =	simm.s32 $0x1100;
	[smem:$0x7B2] =	sst s16  }
0x22: {  	s18 =	simm.s32 $0x1180;
	[smem:$0x7B3] =	sst s17  }
0x23: {  	s19 =	simm.s32 $0x1200;
	[smem:$0x7B4] =	sst s18  }
0x24: {  	s20 =	simm.s32 $0x1280;
	[smem:$0x7B5] =	sst s19  }
0x25: {  	s21 =	simm.s32 $0x1300;
	[smem:$0x7B6] =	sst s20  }
0x26: {  	s22 =	simm.s32 $0x1380;
	[smem:$0x7B7] =	sst s21  }
0x27: {  	s23 =	simm.s32 $0x1400;
	[smem:$0x7B8] =	sst s22  }
0x28: {  	s24 =	simm.s32 $0x1480;
	[smem:$0x7B9] =	sst s23  }
0x29: {  	s25 =	simm.s32 $0x1500;
	[smem:$0x7BA] =	sst s24  }
0x2a: {  	s3 =	sor.u32 s4, s3;
	s26 =	simm.s32 $0x1580;
	[smem:$0x7BB] =	sst s25  }
0x2b: {  	s7 =	sshll.u32 s3, $0x4;
	s0 =	simm.s32 $0x1600;
	[smem:$0x7BC] =	sst s26  }
0x2c: {  	s5 =	sadd.s32 s5, s7;
	[smem:$0x7BD] =	sst s0  }
0x2d: {  	s6 =	sadd.s32 s6, s7;
	[dreg:$0x4] =	wrdreg s5  }
0x2e: {  	s7 =	simm.s32 $0x100;
	[dreg:$0x5] =	wrdreg s6  }
0x2f: {  	s8 =	simm.s32 $0x1780;
	[dreg:$0x6] =	wrdreg s7  }
0x30: {  	s9 =	simm.s32 $0x1800;
	[smem:$0x7C0] =	sst s8  }
0x31: {  	s10 =	simm.s32 $0x1880;
	[smem:$0x7C1] =	sst s9  }
0x32: {  	s11 =	simm.s32 $0x1900;
	[smem:$0x7C2] =	sst s10  }
0x33: {  	s12 =	simm.s32 $0x1980;
	[smem:$0x7C3] =	sst s11  }
0x34: {  	s13 =	simm.s32 $0x1A00;
	[smem:$0x7C4] =	sst s12  }
0x35: {  	s14 =	simm.s32 $0x1A80;
	[smem:$0x7C5] =	sst s13  }
0x36: {  	s15 =	simm.s32 $0x1B00;
	[smem:$0x7C6] =	sst s14  }
0x37: {  	s16 =	simm.s32 $0x1B80;
	[smem:$0x7C7] =	sst s15  }
0x38: {  	s17 =	simm.s32 $0x1C00;
	[smem:$0x7C8] =	sst s16  }
0x39: {  	s18 =	simm.s32 $0x1C80;
	[smem:$0x7C9] =	sst s17  }
0x3a: {  	s19 =	simm.s32 $0x1D00;
	[smem:$0x7CA] =	sst s18  }
0x3b: {  	s20 =	simm.s32 $0x1D80;
	[smem:$0x7CB] =	sst s19  }
0x3c: {  	s21 =	simm.s32 $0x1E00;
	[smem:$0x7CC] =	sst s20  }
0x3d: {  	s22 =	simm.s32 $0x1E80;
	[smem:$0x7CD] =	sst s21  }
0x3e: {  	s23 =	simm.s32 $0x1F00;
	[smem:$0x7CE] =	sst s22  }
0x3f: {  	s24 =	simm.s32 $0x1F80;
	[smem:$0x7CF] =	sst s23  }
0x40: {  	s25 =	simm.s32 $0x2000;
	[smem:$0x7D0] =	sst s24  }
0x41: {  	s26 =	simm.s32 $0x2080;
	[smem:$0x7D1] =	sst s25  }
0x42: {  	s0 =	simm.s32 $0x2100;
	[smem:$0x7D2] =	sst s26  }
0x43: {  	s6 =	simm.s32 $0xB80;
	[smem:$0x7D3] =	sst s0  }
0x44: {  	s7 =	simm.s32 $0xC00;
	[dreg:$0x1b] =	wrdreg s6  }
0x45: {  	s8 =	simm.s32 $0x2280;
	[dreg:$0x1c] =	wrdreg s7  }
0x46: {  	s9 =	simm.s32 $0x2300;
	[smem:$0x7D6] =	sst s8  }
0x47: {  	s10 =	simm.s32 $0x2380;
	[smem:$0x7D7] =	sst s9  }
0x48: {  	s11 =	simm.s32 $0x2400;
	[smem:$0x7D8] =	sst s10  }
0x49: {  	s12 =	simm.s32 $0x2480;
	[smem:$0x7D9] =	sst s11  }
0x4a: {  	s13 =	simm.s32 $0x2500;
	[smem:$0x7DA] =	sst s12  }
0x4b: {  	s14 =	simm.s32 $0x2580;
	[smem:$0x7DB] =	sst s13  }
0x4c: {  	s15 =	simm.s32 $0x2600;
	[smem:$0x7DC] =	sst s14  }
0x4d: {  	s16 =	simm.s32 $0x2680;
	[smem:$0x7DD] =	sst s15  }
0x4e: {  	s17 =	simm.s32 $0x2700;
	[smem:$0x7DE] =	sst s16  }
0x4f: {  	s18 =	simm.s32 $0x2780;
	[smem:$0x7DF] =	sst s17  }
0x50: {  	s19 =	simm.s32 $0x2800;
	[smem:$0x7E0] =	sst s18  }
0x51: {  	s20 =	simm.s32 $0x2880;
	[smem:$0x7E1] =	sst s19  }
0x52: {  	s21 =	simm.s32 $0x2900;
	[smem:$0x7E2] =	sst s20  }
0x53: {  	s22 =	simm.s32 $0x2980;
	[smem:$0x7E3] =	sst s21  }
0x54: {  	s23 =	simm.s32 $0x2A00;
	[smem:$0x7E4] =	sst s22  }
0x55: {  	s24 =	simm.s32 $0x2A80;
	[smem:$0x7E5] =	sst s23  }
0x56: {  	s25 =	simm.s32 $0x2B00;
	[smem:$0x7E6] =	sst s24  }
0x57: {  	s26 =	simm.s32 $0x2B80;
	[smem:$0x7E7] =	sst s25  }
0x58: {  	s0 =	simm.s32 $0x2C00;
	[smem:$0x7E8] =	sst s26  }
0x59: {  	s6 =	simm.s32 $0x1680;
	[smem:$0x7E9] =	sst s0  }
0x5a: {  	s7 =	simm.s32 $0x1700;
	[smem:$0x7BE] =	sst s6  }
0x5b: {  	s8 =	simm.s32 $0x2D80;
	[smem:$0x7BF] =	sst s7  }
0x5c: {  	s9 =	simm.s32 $0x2E00;
	[smem:$0x7EC] =	sst s8  }
0x5d: {  	s10 =	simm.s32 $0x2E80;
	[smem:$0x7ED] =	sst s9  }
0x5e: {  	s11 =	simm.s32 $0x2F00;
	[smem:$0x7EE] =	sst s10  }
0x5f: {  	s12 =	simm.s32 $0x2F80;
	[smem:$0x7EF] =	sst s11  }
0x60: {  	s13 =	simm.s32 $0x3000;
	[smem:$0x7F0] =	sst s12  }
0x61: {  	s14 =	simm.s32 $0x3080;
	[smem:$0x7F1] =	sst s13  }
0x62: {  	s28 =	simm.s32 $0x1;
	s15 =	simm.s32 $0x3100;
	[smem:$0x7F2] =	sst s14  }
0x63: {  	s29 =	simm.s32 $0x2;
	s16 =	simm.s32 $0x3180;
	[smem:$0x7F3] =	sst s15  }
0x64: {  	s30 =	simm.s32 $0x3;
	s17 =	simm.s32 $0x3200;
	[smem:$0x7F4] =	sst s16  }
0x65: {  	s31 =	simm.s32 $0x4;
	s18 =	simm.s32 $0x3280;
	[smem:$0x7F5] =	sst s17  }
0x66: {  	s4 =	ssub.s32 $0x2, s4;
	s19 =	simm.s32 $0x3300;
	[smem:$0x7F6] =	sst s18  }
0x67: {  	s3 =	sshll.u32 s3, $0x7;
	s21 =	simm.s32 $0x3380;
	[smem:$0x7F7] =	sst s19  }
0x68: {  	s3 =	sadd.s32 s1, s3;
	s22 =	simm.s32 $0x3400;
	[smem:$0x7F8] =	sst s21  }
0x69: {  	s1 =	simm.s32 $0x4080;
	s23 =	simm.s32 $0x3480;
	[smem:$0x7F9] =	sst s22  }
0x6a: {  	s5 =	simm.s32 $0x5;
	s24 =	simm.s32 $0x3500;
	[smem:$0x7FA] =	sst s23  }
0x6b: {  	s20 =	sshrl.u32 s4, $0x1;
	s25 =	simm.s32 $0x3580;
	[smem:$0x7FB] =	sst s24  }
0x6c: {  	s26 =	simm.s32 $0x3600;
	s6 =	simm.s32 $0x2180;
	[smem:$0x7FC] =	sst s25  }
0x6d: {  	s7 =	simm.s32 $0x2200;
	s4 =	ssub.s32 s4, s20;
	[smem:$0x7FD] =	sst s26  }
0x6e: {  	v0 =	vimm.s32 $0x7;
	v1 =	vimm.s32 $0x5;
	v12 =	vlaneseq.u32;
	s8 =	simm.s32 $0x3700;
	s9 =	simm.s32 $0x3780;
	s10 =	simm.s32 $0x3800  }
0x6f: {  	v2 =	vimm.s32 $0x0;
	vm0 =	vmmov $0x1;
	v4 =	vimm.s32 $0x1;
	s11 =	simm.s32 $0x3880;
	s12 =	simm.s32 $0x3900;
	s13 =	simm.s32 $0x3980  }
0x70: {  	v5 =	vimm.s32 $0x2;
	v6 =	vimm.s32 $0x3;
	v7 =	vimm.s32 $0x4;
	s14 =	simm.s32 $0x3A00;
	s15 =	simm.s32 $0x3A80;
	s16 =	simm.s32 $0x3B00  }
0x71: {  	v8 =	vimm.s32 $0x6;
	v9 =	vimm.s32 $0x8;
	v10 =	vimm.s32 $0x9;
	s17 =	simm.s32 $0x3B80;
	s18 =	simm.s32 $0x3C00;
	s19 =	simm.s32 $0x3C80  }
0x72: {  	v11 =	vimm.s32 $0xA;
	v3 =	vmul.u32 $0x8, v12;
	v12 =	vmul.u32 $0x81, v12;
	s20 =	simm.s32 $0x3D00;
	s21 =	simm.s32 $0x3D80;
	s22 =	simm.s32 $0x3E00  }
0x73: {  	v13 =	vimm.s32 $0xB;
	v14 =	vimm.s32 $0xC;
	v15 =	vimm.s32 $0xD;
	s23 =	simm.s32 $0x3E80;
	s24 =	simm.s32 $0x3F00;
	[smem:$0x7D4] =	sst s6  }
0x74: {  	v16 =	vimm.s32 $0xE;
	v17 =	vimm.s32 $0xF;
	v18 =	vadd.s32 $0x810, v12;
	s25 =	simm.s32 $0x3F80;
	[smem:$0x7D5] =	sst s7;
	s6 =	simm.s32 $0x2C80  }
0x75: {  	v19 =	vadd.s32 $0x1020, v12;
	v20 =	vadd.s32 $0x1830, v12;
	v21 =	vadd.s32 $0x2040, v12;
	s26 =	simm.s32 $0x4000;
	s7 =	simm.s32 $0x2D00;
	[smem:$0x7EA] =	sst s6  }
0x76: {  	v22 =	vadd.s32 $0x2850, v12;
	v23 =	vadd.s32 $0x3060, v12;
	v24 =	vadd.s32 $0x3870, v12;
	s4 =	smax.u32 s4, $0x1;
	[smem:$0x7EB] =	sst s7;
	s6 =	simm.s32 $0x80  }
.LBB2_1:
0x77: {  	s0 =	rddreg [dreg:$0x4]  }
0x78: {  	[tilespmem:s2], [sflag:$0x5] =	stream.linear.gather [hbm4b:s0+s2], $0x80, $0x38;
	[tilespmem:$0x4100] =	vst v63  }
0x79: {  	_ =	swait.ge [sflag:s5], $0x80  }
0x7a: {  	[sflag:s5] =	ssyncset.done $0x0  }
0x7b: {  	[sflag:s5] =	ssyncadd.s32 $0xFFFFFF80  }
0x7c: {  	v30 =	vld [tilespmem:$0x0];
	_ =	sdelay $0x4  }
0x7d: {  	v25 =	vshll.u32 v30, $0x5  }
0x7e: {  	v26 =	vand.u32 $0x7, v30;
	v25 =	vand.u32 $0xFFFFFF00, v25  }
0x7f: {  	v33 =	vor.u32 v26, v25  }
0x80: {  	v25 =	vperm.xlane v33, v2  }
0x81: {  	v32 =	vld [tilespmem:$0x10]  }
0x82: {  	v31 =	vld [tilespmem:$0x20];
	v34 =	vadd.s32 v3, v25;
	v25 =	vperm.xlane v33, v4  }
0x83: {  	v29 =	vld [tilespmem:$0x30]  }
0x84: {  	v28 =	vld [tilespmem:$0x40];
	v36 =	vperm.xlane v33, v5;
	v35 =	vadd.s32 v3, v25  }
0x85: {  	v27 =	vld [tilespmem:$0x50]  }
0x86: {  	s0 =	rddreg [dreg:$0x6];
	v26 =	vld [tilespmem:$0x60];
	v37 =	vperm.xlane v33, v6;
	v36 =	vadd.s32 v3, v36  }
0x87: {  	v25 =	vld [tilespmem:$0x70];
	[tilespmem:s6], [sflag:$0x1] =	stream.indirect_vreg.gather [hbm4b:s3+s2], $0x80, v34, vm0, $0xb8  }
0x88: {  	s7 =	rddreg [dreg:$0x7];
	v47 =	vperm.xlane v33, v7;
	v46 =	vadd.s32 v3, v37  }
0x89: {  	[tilespmem:s0], [sflag:$0x1] =	stream.indirect_vreg.gather [hbm4b:s3+s2], $0x80, v35, vm0, $0xb8;
	[tilespmem:$0x4100] =	vst v63  }
0x8a: {  	v49 =	vperm.xlane v33, v1;
	v48 =	vadd.s32 v3, v47;
	s0 =	rddreg [dreg:$0x8]  }
0x8b: {  	[tilespmem:s7], [sflag:$0x1] =	stream.indirect_vreg.gather [hbm4b:s3+s2], $0x80, v36, vm0, $0xb8;
	[tilespmem:$0x4100] =	vst v63  }
0x8c: {  	v51 =	vperm.xlane v33, v8;
	v50 =	vadd.s32 v3, v49;
	s7 =	rddreg [dreg:$0x9]  }
0x8d: {  	[tilespmem:s0], [sflag:$0x1] =	stream.indirect_vreg.gather [hbm4b:s3+s2], $0x80, v46, vm0, $0xb8;
	[tilespmem:$0x4100] =	vst v63  }
0x8e: {  	v53 =	vperm.xlane v33, v0;
	v52 =	vadd.s32 v3, v51;
	s0 =	rddreg [dreg:$0xa]  }
0x8f: {  	[tilespmem:s7], [sflag:$0x1] =	stream.indirect_vreg.gather [hbm4b:s3+s2], $0x80, v48, vm0, $0xb8;
	[tilespmem:$0x4100] =	vst v63  }
0x90: {  	v55 =	vperm.xlane v33, v9;
	v54 =	vadd.s32 v3, v53;
	s7 =	rddreg [dreg:$0xb]  }
0x91: {  	[tilespmem:s0], [sflag:$0x1] =	stream.indirect_vreg.gather [hbm4b:s3+s2], $0x80, v50, vm0, $0xb8;
	[tilespmem:$0x4100] =	vst v63  }
0x92: {  	v57 =	vperm.xlane v33, v10;
	v56 =	vadd.s32 v3, v55;
	s0 =	rddreg [dreg:$0xc]  }
0x93: {  	[tilespmem:s7], [sflag:$0x1] =	stream.indirect_vreg.gather [hbm4b:s3+s2], $0x80, v52, vm0, $0xb8;
	[tilespmem:$0x4100] =	vst v63  }
0x94: {  	v59 =	vperm.xlane v33, v11;
	v58 =	vadd.s32 v3, v57;
	s7 =	rddreg [dreg:$0xd]  }
0x95: {  	[tilespmem:s0], [sflag:$0x1] =	stream.indirect_vreg.gather [hbm4b:s3+s2], $0x80, v54, vm0, $0xb8;
	[tilespmem:$0x4100] =	vst v63  }
0x96: {  	v61 =	vperm.xlane v33, v13;
	v60 =	vadd.s32 v3, v59;
	s0 =	rddreg [dreg:$0xe]  }
0x97: {  	[tilespmem:s7], [sflag:$0x1] =	stream.indirect_vreg.gather [hbm4b:s3+s2], $0x80, v56, vm0, $0xb8;
	[tilespmem:$0x4100] =	vst v63  }
0x98: {  	v63 =	vperm.xlane v33, v14;
	v62 =	vadd.s32 v3, v61;
	s7 =	rddreg [dreg:$0xf]  }
0x99: {  	[tilespmem:s0], [sflag:$0x1] =	stream.indirect_vreg.gather [hbm4b:s3+s2], $0x80, v58, vm0, $0xb8;
	[tilespmem:$0x4100] =	vst v63  }
0x9a: {  	v41 =	vperm.xlane v33, v15;
	v40 =	vadd.s32 v3, v63;
	s0 =	rddreg [dreg:$0x10]  }
0x9b: {  	[tilespmem:s7], [sflag:$0x1] =	stream.indirect_vreg.gather [hbm4b:s3+s2], $0x80, v60, vm0, $0xb8;
	[tilespmem:$0x4100] =	vst v63  }
0x9c: {  	v42 =	vperm.xlane v33, v16;
	v37 =	vadd.s32 v3, v41;
	s7 =	rddreg [dreg:$0x11]  }
0x9d: {  	v43 =	vshll.u32 v32, $0x5;
	v38 =	vand.u32 $0x7, v32;
	[tilespmem:s0], [sflag:$0x1] =	stream.indirect_vreg.gather [hbm4b:s3+s2], $0x80, v62, vm0, $0xb8;
	[tilespmem:$0x4100] =	vst v63  }
0x9e: {  	v33 =	vperm.xlane v33, v17;
	v35 =	vadd.s32 v3, v42;
	v36 =	vand.u32 $0xFFFFFF00, v43;
	s0 =	rddreg [dreg:$0x12]  }
0x9f: {  	v34 =	vor.u32 v38, v36;
	[tilespmem:s7], [sflag:$0x1] =	stream.indirect_vreg.gather [hbm4b:s3+s2], $0x80, v40, vm0, $0xb8;
	[tilespmem:$0x4100] =	vst v63  }
0xa0: {  	v33 =	vadd.s32 v3, v33;
	v36 =	vperm.xlane v34, v2;
	s7 =	rddreg [dreg:$0x13]  }
0xa1: {  	[tilespmem:s0], [sflag:$0x1] =	stream.indirect_vreg.gather [hbm4b:s3+s2], $0x80, v37, vm0, $0xb8;
	[tilespmem:$0x4100] =	vst v63  }
0xa2: {  	v44 =	vperm.xlane v34, v4;
	v36 =	vadd.s32 v3, v36;
	s0 =	rddreg [dreg:$0x14]  }
0xa3: {  	[tilespmem:s7], [sflag:$0x1] =	stream.indirect_vreg.gather [hbm4b:s3+s2], $0x80, v35, vm0, $0xb8;
	[tilespmem:$0x4100] =	vst v63  }
0xa4: {  	v46 =	vperm.xlane v34, v5;
	v45 =	vadd.s32 v3, v44;
	s7 =	rddreg [dreg:$0x15]  }
0xa5: {  	[tilespmem:s0], [sflag:$0x1] =	stream.indirect_vreg.gather [hbm4b:s3+s2], $0x80, v33, vm0, $0xb8;
	[tilespmem:$0x4100] =	vst v63  }
0xa6: {  	v47 =	vadd.s32 v3, v46;
	v48 =	vperm.xlane v34, v6;
	s0 =	rddreg [dreg:$0x16]  }
0xa7: {  	[tilespmem:s7], [sflag:$0x1] =	stream.indirect_vreg.gather [hbm4b:s3+s2], $0x80, v36, vm0, $0xb8;
	[tilespmem:$0x4100] =	vst v63  }
0xa8: {  	v49 =	vadd.s32 v3, v48;
	v50 =	vperm.xlane v34, v7;
	s7 =	rddreg [dreg:$0x17]  }
0xa9: {  	[tilespmem:s0], [sflag:$0x1] =	stream.indirect_vreg.gather [hbm4b:s3+s2], $0x80, v45, vm0, $0xb8;
	[tilespmem:$0x4100] =	vst v63  }
0xaa: {  	v51 =	vadd.s32 v3, v50;
	v52 =	vperm.xlane v34, v1;
	s0 =	rddreg [dreg:$0x18]  }
0xab: {  	[tilespmem:s7], [sflag:$0x1] =	stream.indirect_vreg.gather [hbm4b:s3+s2], $0x80, v47, vm0, $0xb8;
	[tilespmem:$0x4100] =	vst v63  }
0xac: {  	v53 =	vadd.s32 v3, v52;
	v54 =	vperm.xlane v34, v8;
	s7 =	rddreg [dreg:$0x19]  }
0xad: {  	[tilespmem:s0], [sflag:$0x1] =	stream.indirect_vreg.gather [hbm4b:s3+s2], $0x80, v49, vm0, $0xb8;
	[tilespmem:$0x4100] =	vst v63  }
0xae: {  	v55 =	vadd.s32 v3, v54;
	v56 =	vperm.xlane v34, v0;
	s0 =	rddreg [dreg:$0x1a]  }
0xaf: {  	[tilespmem:s7], [sflag:$0x1] =	stream.indirect_vreg.gather [hbm4b:s3+s2], $0x80, v51, vm0, $0xb8;
	[tilespmem:$0x4100] =	vst v63  }
0xb0: {  	v57 =	vadd.s32 v3, v56;
	v58 =	vperm.xlane v34, v9;
	s7 =	rddreg [dreg:$0x1b]  }
0xb1: {  	[tilespmem:s0], [sflag:$0x1] =	stream.indirect_vreg.gather [hbm4b:s3+s2], $0x80, v53, vm0, $0xb8;
	[tilespmem:$0x4100] =	vst v63  }
0xb2: {  	v59 =	vadd.s32 v3, v58;
	v60 =	vperm.xlane v34, v10;
	s0 =	rddreg [dreg:$0x1c]  }
0xb3: {  	[tilespmem:s7], [sflag:$0x1] =	stream.indirect_vreg.gather [hbm4b:s3+s2], $0x80, v55, vm0, $0xb8;
	[tilespmem:$0x4100] =	vst v63  }
0xb4: {  	v61 =	vadd.s32 v3, v60;
	v62 =	vperm.xlane v34, v11;
	s7 =	rddreg [dreg:$0x1d]  }
0xb5: {  	[tilespmem:s0], [sflag:$0x1] =	stream.indirect_vreg.gather [hbm4b:s3+s2], $0x80, v57, vm0, $0xb8;
	[tilespmem:$0x4100] =	vst v63  }
0xb6: {  	v63 =	vadd.s32 v3, v62;
	v40 =	vperm.xlane v34, v13;
	s0 =	rddreg [dreg:$0x1e]  }
0xb7: {  	[tilespmem:s7], [sflag:$0x1] =	stream.indirect_vreg.gather [hbm4b:s3+s2], $0x80, v59, vm0, $0xb8;
	[tilespmem:$0x4100] =	vst v63  }
0xb8: {  	v42 =	vperm.xlane v34, v14;
	v41 =	vadd.s32 v3, v40;
	s7 =	rddreg [dreg:$0x1f]  }
0xb9: {  	[tilespmem:s0], [sflag:$0x1] =	stream.indirect_vreg.gather [hbm4b:s3+s2], $0x80, v61, vm0, $0xb8;
	[tilespmem:$0x4100] =	vst v63  }
0xba: {  	v43 =	vadd.s32 v3, v42;
	v44 =	vperm.xlane v34, v15;
	s0 =	sld [smem:$0x7AD]  }
0xbb: {  	[tilespmem:s7], [sflag:$0x1] =	stream.indirect_vreg.gather [hbm4b:s3+s2], $0x80, v63, vm0, $0xb8;
	[tilespmem:$0x4100] =	vst v63  }
0xbc: {  	v37 =	vadd.s32 v3, v44;
	v45 =	vperm.xlane v34, v16;
	s7 =	sld [smem:$0x7AE]  }
0xbd: {  	v48 =	vand.u32 $0x7, v31;
	v47 =	vshll.u32 v31, $0x5;
	[tilespmem:s0], [sflag:$0x1] =	stream.indirect_vreg.gather [hbm4b:s3+s2], $0x80, v41, vm0, $0xb8;
	[tilespmem:$0x4100] =	vst v63  }
0xbe: {  	v34 =	vperm.xlane v34, v17;
	v46 =	vadd.s32 v3, v45;
	v35 =	vand.u32 $0xFFFFFF00, v47;
	s0 =	sld [smem:$0x7AF]  }
0xbf: {  	v35 =	vor.u32 v48, v35;
	[tilespmem:s7], [sflag:$0x1] =	stream.indirect_vreg.gather [hbm4b:s3+s2], $0x80, v43, vm0, $0xb8;
	[tilespmem:$0x4100] =	vst v63  }
0xc0: {  	v34 =	vadd.s32 v3, v34;
	v49 =	vperm.xlane v35, v2;
	s7 =	sld [smem:$0x7B0]  }
0xc1: {  	[tilespmem:s0], [sflag:$0x1] =	stream.indirect_vreg.gather [hbm4b:s3+s2], $0x80, v37, vm0, $0xb8;
	[tilespmem:$0x4100] =	vst v63  }
0xc2: {  	v50 =	vperm.xlane v35, v4;
	v36 =	vadd.s32 v3, v49;
	s0 =	sld [smem:$0x7B1]  }
0xc3: {  	[tilespmem:s7], [sflag:$0x1] =	stream.indirect_vreg.gather [hbm4b:s3+s2], $0x80, v46, vm0, $0xb8;
	[tilespmem:$0x4100] =	vst v63  }
0xc4: {  	v52 =	vperm.xlane v35, v5;
	v51 =	vadd.s32 v3, v50;
	s7 =	sld [smem:$0x7B2]  }
0xc5: {  	[tilespmem:s0], [sflag:$0x1] =	stream.indirect_vreg.gather [hbm4b:s3+s2], $0x80, v34, vm0, $0xb8;
	[tilespmem:$0x4100] =	vst v63  }
0xc6: {  	v54 =	vperm.xlane v35, v6;
	v53 =	vadd.s32 v3, v52;
	s0 =	sld [smem:$0x7B3]  }
0xc7: {  	[tilespmem:s7], [sflag:$0x2] =	stream.indirect_vreg.gather [hbm4b:s3+s2], $0x80, v36, vm0, $0xb8;
	[tilespmem:$0x4100] =	vst v63  }
0xc8: {  	v56 =	vperm.xlane v35, v7;
	v55 =	vadd.s32 v3, v54;
	s7 =	sld [smem:$0x7B4]  }
0xc9: {  	[tilespmem:s0], [sflag:$0x2] =	stream.indirect_vreg.gather [hbm4b:s3+s2], $0x80, v51, vm0, $0xb8;
	[tilespmem:$0x4100] =	vst v63  }
0xca: {  	v58 =	vperm.xlane v35, v1;
	v57 =	vadd.s32 v3, v56;
	s0 =	sld [smem:$0x7B5]  }
0xcb: {  	[tilespmem:s7], [sflag:$0x2] =	stream.indirect_vreg.gather [hbm4b:s3+s2], $0x80, v53, vm0, $0xb8;
	[tilespmem:$0x4100] =	vst v63  }
0xcc: {  	v60 =	vperm.xlane v35, v8;
	v59 =	vadd.s32 v3, v58;
	s7 =	sld [smem:$0x7B6]  }
0xcd: {  	[tilespmem:s0], [sflag:$0x2] =	stream.indirect_vreg.gather [hbm4b:s3+s2], $0x80, v55, vm0, $0xb8;
	[tilespmem:$0x4100] =	vst v63  }
0xce: {  	v62 =	vperm.xlane v35, v0;
	v61 =	vadd.s32 v3, v60;
	s0 =	sld [smem:$0x7B7]  }
0xcf: {  	[tilespmem:s7], [sflag:$0x2] =	stream.indirect_vreg.gather [hbm4b:s3+s2], $0x80, v57, vm0, $0xb8;
	[tilespmem:$0x4100] =	vst v63  }
0xd0: {  	v40 =	vperm.xlane v35, v9;
	v63 =	vadd.s32 v3, v62;
	s7 =	sld [smem:$0x7B8]  }
0xd1: {  	[tilespmem:s0], [sflag:$0x2] =	stream.indirect_vreg.gather [hbm4b:s3+s2], $0x80, v59, vm0, $0xb8;
	[tilespmem:$0x4100] =	vst v63  }
0xd2: {  	v42 =	vperm.xlane v35, v10;
	v41 =	vadd.s32 v3, v40;
	s0 =	sld [smem:$0x7B9]  }
0xd3: {  	[tilespmem:s7], [sflag:$0x2] =	stream.indirect_vreg.gather [hbm4b:s3+s2], $0x80, v61, vm0, $0xb8;
	[tilespmem:$0x4100] =	vst v63  }
0xd4: {  	v44 =	vperm.xlane v35, v11;
	v43 =	vadd.s32 v3, v42;
	s7 =	sld [smem:$0x7BA]  }
0xd5: {  	[tilespmem:s0], [sflag:$0x2] =	stream.indirect_vreg.gather [hbm4b:s3+s2], $0x80, v63, vm0, $0xb8;
	[tilespmem:$0x4100] =	vst v63  }
0xd6: {  	v45 =	vadd.s32 v3, v44;
	v46 =	vperm.xlane v35, v13;
	s0 =	sld [smem:$0x7BB]  }
0xd7: {  	[tilespmem:s7], [sflag:$0x2] =	stream.indirect_vreg.gather [hbm4b:s3+s2], $0x80, v41, vm0, $0xb8;
	[tilespmem:$0x4100] =	vst v63  }
0xd8: {  	v48 =	vperm.xlane v35, v14;
	v47 =	vadd.s32 v3, v46;
	s7 =	sld [smem:$0x7BC]  }
0xd9: {  	[tilespmem:s0], [sflag:$0x2] =	stream.indirect_vreg.gather [hbm4b:s3+s2], $0x80, v43, vm0, $0xb8;
	[tilespmem:$0x4100] =	vst v63  }
0xda: {  	v49 =	vadd.s32 v3, v48;
	v50 =	vperm.xlane v35, v15;
	s0 =	sld [smem:$0x7BD]  }
0xdb: {  	[tilespmem:s7], [sflag:$0x2] =	stream.indirect_vreg.gather [hbm4b:s3+s2], $0x80, v45, vm0, $0xb8;
	[tilespmem:$0x4100] =	vst v63  }
0xdc: {  	v52 =	vshll.u32 v29, $0x5;
	v37 =	vadd.s32 v3, v50;
	v51 =	vperm.xlane v35, v16;
	s7 =	sld [smem:$0x7BE]  }
0xdd: {  	v34 =	vand.u32 $0xFFFFFF00, v52;
	[tilespmem:s0], [sflag:$0x2] =	stream.indirect_vreg.gather [hbm4b:s3+s2], $0x80, v47, vm0, $0xb8;
	[tilespmem:$0x4100] =	vst v63  }
0xde: {  	v35 =	vperm.xlane v35, v17;
	v33 =	vadd.s32 v3, v51;
	v53 =	vand.u32 $0x7, v29;
	s0 =	sld [smem:$0x7BF]  }
0xdf: {  	v34 =	vor.u32 v53, v34;
	[tilespmem:s7], [sflag:$0x2] =	stream.indirect_vreg.gather [hbm4b:s3+s2], $0x80, v49, vm0, $0xb8;
	[tilespmem:$0x4100] =	vst v63  }
0xe0: {  	v35 =	vadd.s32 v3, v35;
	v54 =	vperm.xlane v34, v2;
	s7 =	sld [smem:$0x7C0]  }
0xe1: {  	[tilespmem:s0], [sflag:$0x2] =	stream.indirect_vreg.gather [hbm4b:s3+s2], $0x80, v37, vm0, $0xb8;
	[tilespmem:$0x4100] =	vst v63  }
0xe2: {  	v55 =	vperm.xlane v34, v4;
	v36 =	vadd.s32 v3, v54;
	s0 =	sld [smem:$0x7C1]  }
0xe3: {  	[tilespmem:s7], [sflag:$0x2] =	stream.indirect_vreg.gather [hbm4b:s3+s2], $0x80, v33, vm0, $0xb8;
	[tilespmem:$0x4100] =	vst v63  }
0xe4: {  	v56 =	vadd.s32 v3, v55;
	v57 =	vperm.xlane v34, v5;
	s7 =	sld [smem:$0x7C2]  }
0xe5: {  	[tilespmem:s0], [sflag:$0x2] =	stream.indirect_vreg.gather [hbm4b:s3+s2], $0x80, v35, vm0, $0xb8;
	[tilespmem:$0x4100] =	vst v63  }
0xe6: {  	v58 =	vadd.s32 v3, v57;
	v59 =	vperm.xlane v34, v6;
	s0 =	sld [smem:$0x7C3]  }
0xe7: {  	[tilespmem:s7], [sflag:$0x2] =	stream.indirect_vreg.gather [hbm4b:s3+s2], $0x80, v36, vm0, $0xb8;
	[tilespmem:$0x4100] =	vst v63  }
0xe8: {  	v60 =	vadd.s32 v3, v59;
	v61 =	vperm.xlane v34, v7;
	s7 =	sld [smem:$0x7C4]  }
0xe9: {  	[tilespmem:s0], [sflag:$0x2] =	stream.indirect_vreg.gather [hbm4b:s3+s2], $0x80, v56, vm0, $0xb8;
	[tilespmem:$0x4100] =	vst v63  }
0xea: {  	v62 =	vadd.s32 v3, v61;
	v63 =	vperm.xlane v34, v1;
	s0 =	sld [smem:$0x7C5]  }
0xeb: {  	[tilespmem:s7], [sflag:$0x2] =	stream.indirect_vreg.gather [hbm4b:s3+s2], $0x80, v58, vm0, $0xb8;
	[tilespmem:$0x4100] =	vst v63  }
0xec: {  	v40 =	vadd.s32 v3, v63;
	v41 =	vperm.xlane v34, v8;
	s7 =	sld [smem:$0x7C6]  }
0xed: {  	[tilespmem:s0], [sflag:$0x2] =	stream.indirect_vreg.gather [hbm4b:s3+s2], $0x80, v60, vm0, $0xb8;
	[tilespmem:$0x4100] =	vst v63  }
0xee: {  	v42 =	vadd.s32 v3, v41;
	v43 =	vperm.xlane v34, v0;
	s0 =	sld [smem:$0x7C7]  }
0xef: {  	[tilespmem:s7], [sflag:$0x2] =	stream.indirect_vreg.gather [hbm4b:s3+s2], $0x80, v62, vm0, $0xb8;
	[tilespmem:$0x4100] =	vst v63  }
0xf0: {  	v44 =	vadd.s32 v3, v43;
	v45 =	vperm.xlane v34, v9;
	s7 =	sld [smem:$0x7C8]  }
0xf1: {  	[tilespmem:s0], [sflag:$0x2] =	stream.indirect_vreg.gather [hbm4b:s3+s2], $0x80, v40, vm0, $0xb8;
	[tilespmem:$0x4100] =	vst v63  }
0xf2: {  	v46 =	vadd.s32 v3, v45;
	v47 =	vperm.xlane v34, v10;
	s0 =	sld [smem:$0x7C9]  }
0xf3: {  	[tilespmem:s7], [sflag:$0x2] =	stream.indirect_vreg.gather [hbm4b:s3+s2], $0x80, v42, vm0, $0xb8;
	[tilespmem:$0x4100] =	vst v63  }
0xf4: {  	v48 =	vadd.s32 v3, v47;
	v49 =	vperm.xlane v34, v11;
	s7 =	sld [smem:$0x7CA]  }
0xf5: {  	[tilespmem:s0], [sflag:$0x2] =	stream.indirect_vreg.gather [hbm4b:s3+s2], $0x80, v44, vm0, $0xb8;
	[tilespmem:$0x4100] =	vst v63  }
0xf6: {  	v51 =	vperm.xlane v34, v13;
	v50 =	vadd.s32 v3, v49;
	s0 =	sld [smem:$0x7CB]  }
0xf7: {  	[tilespmem:s7], [sflag:$0x2] =	stream.indirect_vreg.gather [hbm4b:s3+s2], $0x80, v46, vm0, $0xb8;
	[tilespmem:$0x4100] =	vst v63  }
0xf8: {  	v53 =	vperm.xlane v34, v14;
	v52 =	vadd.s32 v3, v51;
	s7 =	sld [smem:$0x7CC]  }
0xf9: {  	[tilespmem:s0], [sflag:$0x2] =	stream.indirect_vreg.gather [hbm4b:s3+s2], $0x80, v48, vm0, $0xb8;
	[tilespmem:$0x4100] =	vst v63  }
0xfa: {  	v54 =	vadd.s32 v3, v53;
	v55 =	vperm.xlane v34, v15;
	s0 =	sld [smem:$0x7CD]  }
0xfb: {  	[tilespmem:s7], [sflag:$0x2] =	stream.indirect_vreg.gather [hbm4b:s3+s2], $0x80, v50, vm0, $0xb8;
	[tilespmem:$0x4100] =	vst v63  }
0xfc: {  	v57 =	vshll.u32 v28, $0x5;
	v37 =	vadd.s32 v3, v55;
	v56 =	vperm.xlane v34, v16;
	s7 =	sld [smem:$0x7CE]  }
0xfd: {  	v35 =	vand.u32 $0xFFFFFF00, v57;
	[tilespmem:s0], [sflag:$0x2] =	stream.indirect_vreg.gather [hbm4b:s3+s2], $0x80, v52, vm0, $0xb8;
	[tilespmem:$0x4100] =	vst v63  }
0xfe: {  	v34 =	vperm.xlane v34, v17;
	v33 =	vadd.s32 v3, v56;
	v58 =	vand.u32 $0x7, v28;
	s0 =	sld [smem:$0x7CF]  }
0xff: {  	v35 =	vor.u32 v58, v35;
	[tilespmem:s7], [sflag:$0x2] =	stream.indirect_vreg.gather [hbm4b:s3+s2], $0x80, v54, vm0, $0xb8;
	[tilespmem:$0x4100] =	vst v63  }
0x100: {  	v34 =	vadd.s32 v3, v34;
	v59 =	vperm.xlane v35, v2;
	s7 =	sld [smem:$0x7D0]  }
0x101: {  	[tilespmem:s0], [sflag:$0x2] =	stream.indirect_vreg.gather [hbm4b:s3+s2], $0x80, v37, vm0, $0xb8;
	[tilespmem:$0x4100] =	vst v63  }
0x102: {  	v60 =	vperm.xlane v35, v4;
	v36 =	vadd.s32 v3, v59;
	s0 =	sld [smem:$0x7D1]  }
0x103: {  	[tilespmem:s7], [sflag:$0x2] =	stream.indirect_vreg.gather [hbm4b:s3+s2], $0x80, v33, vm0, $0xb8;
	[tilespmem:$0x4100] =	vst v63  }
0x104: {  	v61 =	vadd.s32 v3, v60;
	v62 =	vperm.xlane v35, v5;
	s7 =	sld [smem:$0x7D2]  }
0x105: {  	[tilespmem:s0], [sflag:$0x2] =	stream.indirect_vreg.gather [hbm4b:s3+s2], $0x80, v34, vm0, $0xb8;
	[tilespmem:$0x4100] =	vst v63  }
0x106: {  	v63 =	vadd.s32 v3, v62;
	v40 =	vperm.xlane v35, v6;
	s0 =	sld [smem:$0x7D3]  }
0x107: {  	[tilespmem:s7], [sflag:$0x3] =	stream.indirect_vreg.gather [hbm4b:s3+s2], $0x80, v36, vm0, $0xb8;
	[tilespmem:$0x4100] =	vst v63  }
0x108: {  	v41 =	vadd.s32 v3, v40;
	v42 =	vperm.xlane v35, v7;
	s7 =	sld [smem:$0x7D4]  }
0x109: {  	[tilespmem:s0], [sflag:$0x3] =	stream.indirect_vreg.gather [hbm4b:s3+s2], $0x80, v61, vm0, $0xb8;
	[tilespmem:$0x4100] =	vst v63  }
0x10a: {  	v43 =	vadd.s32 v3, v42;
	v44 =	vperm.xlane v35, v1;
	s0 =	sld [smem:$0x7D5]  }
0x10b: {  	[tilespmem:s7], [sflag:$0x3] =	stream.indirect_vreg.gather [hbm4b:s3+s2], $0x80, v63, vm0, $0xb8;
	[tilespmem:$0x4100] =	vst v63  }
0x10c: {  	v45 =	vadd.s32 v3, v44;
	v46 =	vperm.xlane v35, v8;
	s7 =	sld [smem:$0x7D6]  }
0x10d: {  	[tilespmem:s0], [sflag:$0x3] =	stream.indirect_vreg.gather [hbm4b:s3+s2], $0x80, v41, vm0, $0xb8;
	[tilespmem:$0x4100] =	vst v63  }
0x10e: {  	v47 =	vadd.s32 v3, v46;
	v48 =	vperm.xlane v35, v0;
	s0 =	sld [smem:$0x7D7]  }
0x10f: {  	[tilespmem:s7], [sflag:$0x3] =	stream.indirect_vreg.gather [hbm4b:s3+s2], $0x80, v43, vm0, $0xb8;
	[tilespmem:$0x4100] =	vst v63  }
0x110: {  	v49 =	vadd.s32 v3, v48;
	v50 =	vperm.xlane v35, v9;
	s7 =	sld [smem:$0x7D8]  }
0x111: {  	[tilespmem:s0], [sflag:$0x3] =	stream.indirect_vreg.gather [hbm4b:s3+s2], $0x80, v45, vm0, $0xb8;
	[tilespmem:$0x4100] =	vst v63  }
0x112: {  	v51 =	vadd.s32 v3, v50;
	v52 =	vperm.xlane v35, v10;
	s0 =	sld [smem:$0x7D9]  }
0x113: {  	[tilespmem:s7], [sflag:$0x3] =	stream.indirect_vreg.gather [hbm4b:s3+s2], $0x80, v47, vm0, $0xb8;
	[tilespmem:$0x4100] =	vst v63  }
0x114: {  	v53 =	vadd.s32 v3, v52;
	v54 =	vperm.xlane v35, v11;
	s7 =	sld [smem:$0x7DA]  }
0x115: {  	[tilespmem:s0], [sflag:$0x3] =	stream.indirect_vreg.gather [hbm4b:s3+s2], $0x80, v49, vm0, $0xb8;
	[tilespmem:$0x4100] =	vst v63  }
0x116: {  	v56 =	vperm.xlane v35, v13;
	v55 =	vadd.s32 v3, v54;
	s0 =	sld [smem:$0x7DB]  }
0x117: {  	[tilespmem:s7], [sflag:$0x3] =	stream.indirect_vreg.gather [hbm4b:s3+s2], $0x80, v51, vm0, $0xb8;
	[tilespmem:$0x4100] =	vst v63  }
0x118: {  	v58 =	vperm.xlane v35, v14;
	v57 =	vadd.s32 v3, v56;
	s7 =	sld [smem:$0x7DC]  }
0x119: {  	[tilespmem:s0], [sflag:$0x3] =	stream.indirect_vreg.gather [hbm4b:s3+s2], $0x80, v53, vm0, $0xb8;
	[tilespmem:$0x4100] =	vst v63  }
0x11a: {  	v59 =	vadd.s32 v3, v58;
	v60 =	vperm.xlane v35, v15;
	s0 =	sld [smem:$0x7DD]  }
0x11b: {  	[tilespmem:s7], [sflag:$0x3] =	stream.indirect_vreg.gather [hbm4b:s3+s2], $0x80, v55, vm0, $0xb8;
	[tilespmem:$0x4100] =	vst v63  }
0x11c: {  	v62 =	vshll.u32 v27, $0x5;
	v37 =	vadd.s32 v3, v60;
	v61 =	vperm.xlane v35, v16;
	s7 =	sld [smem:$0x7DE]  }
0x11d: {  	v34 =	vand.u32 $0xFFFFFF00, v62;
	[tilespmem:s0], [sflag:$0x3] =	stream.indirect_vreg.gather [hbm4b:s3+s2], $0x80, v57, vm0, $0xb8;
	[tilespmem:$0x4100] =	vst v63  }
0x11e: {  	v35 =	vperm.xlane v35, v17;
	v33 =	vadd.s32 v3, v61;
	v63 =	vand.u32 $0x7, v27;
	s0 =	sld [smem:$0x7DF]  }
0x11f: {  	v34 =	vor.u32 v63, v34;
	[tilespmem:s7], [sflag:$0x3] =	stream.indirect_vreg.gather [hbm4b:s3+s2], $0x80, v59, vm0, $0xb8;
	[tilespmem:$0x4100] =	vst v63  }
0x120: {  	v35 =	vadd.s32 v3, v35;
	v40 =	vperm.xlane v34, v2;
	s7 =	sld [smem:$0x7E0]  }
0x121: {  	[tilespmem:s0], [sflag:$0x3] =	stream.indirect_vreg.gather [hbm4b:s3+s2], $0x80, v37, vm0, $0xb8;
	[tilespmem:$0x4100] =	vst v63  }
0x122: {  	v41 =	vperm.xlane v34, v4;
	v36 =	vadd.s32 v3, v40;
	s0 =	sld [smem:$0x7E1]  }
0x123: {  	[tilespmem:s7], [sflag:$0x3] =	stream.indirect_vreg.gather [hbm4b:s3+s2], $0x80, v33, vm0, $0xb8;
	[tilespmem:$0x4100] =	vst v63  }
0x124: {  	v42 =	vadd.s32 v3, v41;
	v43 =	vperm.xlane v34, v5;
	s7 =	sld [smem:$0x7E2]  }
0x125: {  	[tilespmem:s0], [sflag:$0x3] =	stream.indirect_vreg.gather [hbm4b:s3+s2], $0x80, v35, vm0, $0xb8;
	[tilespmem:$0x4100] =	vst v63  }
0x126: {  	v44 =	vadd.s32 v3, v43;
	v45 =	vperm.xlane v34, v6;
	s0 =	sld [smem:$0x7E3]  }
0x127: {  	[tilespmem:s7], [sflag:$0x3] =	stream.indirect_vreg.gather [hbm4b:s3+s2], $0x80, v36, vm0, $0xb8;
	[tilespmem:$0x4100] =	vst v63  }
0x128: {  	v46 =	vadd.s32 v3, v45;
	v47 =	vperm.xlane v34, v7;
	s7 =	sld [smem:$0x7E4]  }
0x129: {  	[tilespmem:s0], [sflag:$0x3] =	stream.indirect_vreg.gather [hbm4b:s3+s2], $0x80, v42, vm0, $0xb8;
	[tilespmem:$0x4100] =	vst v63  }
0x12a: {  	v48 =	vadd.s32 v3, v47;
	v49 =	vperm.xlane v34, v1;
	s0 =	sld [smem:$0x7E5]  }
0x12b: {  	[tilespmem:s7], [sflag:$0x3] =	stream.indirect_vreg.gather [hbm4b:s3+s2], $0x80, v44, vm0, $0xb8;
	[tilespmem:$0x4100] =	vst v63  }
0x12c: {  	v50 =	vadd.s32 v3, v49;
	v51 =	vperm.xlane v34, v8;
	s7 =	sld [smem:$0x7E6]  }
0x12d: {  	[tilespmem:s0], [sflag:$0x3] =	stream.indirect_vreg.gather [hbm4b:s3+s2], $0x80, v46, vm0, $0xb8;
	[tilespmem:$0x4100] =	vst v63  }
0x12e: {  	v52 =	vadd.s32 v3, v51;
	v53 =	vperm.xlane v34, v0;
	s0 =	sld [smem:$0x7E7]  }
0x12f: {  	[tilespmem:s7], [sflag:$0x3] =	stream.indirect_vreg.gather [hbm4b:s3+s2], $0x80, v48, vm0, $0xb8;
	[tilespmem:$0x4100] =	vst v63  }
0x130: {  	v54 =	vadd.s32 v3, v53;
	v55 =	vperm.xlane v34, v9;
	s7 =	sld [smem:$0x7E8]  }
0x131: {  	[tilespmem:s0], [sflag:$0x3] =	stream.indirect_vreg.gather [hbm4b:s3+s2], $0x80, v50, vm0, $0xb8;
	[tilespmem:$0x4100] =	vst v63  }
0x132: {  	v56 =	vadd.s32 v3, v55;
	v57 =	vperm.xlane v34, v10;
	s0 =	sld [smem:$0x7E9]  }
0x133: {  	[tilespmem:s7], [sflag:$0x3] =	stream.indirect_vreg.gather [hbm4b:s3+s2], $0x80, v52, vm0, $0xb8;
	[tilespmem:$0x4100] =	vst v63  }
0x134: {  	v58 =	vadd.s32 v3, v57;
	v59 =	vperm.xlane v34, v11;
	s7 =	sld [smem:$0x7EA]  }
0x135: {  	[tilespmem:s0], [sflag:$0x3] =	stream.indirect_vreg.gather [hbm4b:s3+s2], $0x80, v54, vm0, $0xb8;
	[tilespmem:$0x4100] =	vst v63  }
0x136: {  	v61 =	vperm.xlane v34, v13;
	v60 =	vadd.s32 v3, v59;
	s0 =	sld [smem:$0x7EB]  }
0x137: {  	[tilespmem:s7], [sflag:$0x3] =	stream.indirect_vreg.gather [hbm4b:s3+s2], $0x80, v56, vm0, $0xb8;
	[tilespmem:$0x4100] =	vst v63  }
0x138: {  	v63 =	vperm.xlane v34, v14;
	v62 =	vadd.s32 v3, v61;
	s7 =	sld [smem:$0x7EC]  }
0x139: {  	[tilespmem:s0], [sflag:$0x3] =	stream.indirect_vreg.gather [hbm4b:s3+s2], $0x80, v58, vm0, $0xb8;
	[tilespmem:$0x4100] =	vst v63  }
0x13a: {  	v40 =	vadd.s32 v3, v63;
	v41 =	vperm.xlane v34, v15;
	s0 =	sld [smem:$0x7ED]  }
0x13b: {  	[tilespmem:s7], [sflag:$0x3] =	stream.indirect_vreg.gather [hbm4b:s3+s2], $0x80, v60, vm0, $0xb8;
	[tilespmem:$0x4100] =	vst v63  }
0x13c: {  	v43 =	vshll.u32 v26, $0x5;
	v37 =	vadd.s32 v3, v41;
	v42 =	vperm.xlane v34, v16;
	s7 =	sld [smem:$0x7EE]  }
0x13d: {  	v35 =	vand.u32 $0xFFFFFF00, v43;
	[tilespmem:s0], [sflag:$0x3] =	stream.indirect_vreg.gather [hbm4b:s3+s2], $0x80, v62, vm0, $0xb8;
	[tilespmem:$0x4100] =	vst v63  }
0x13e: {  	v34 =	vperm.xlane v34, v17;
	v33 =	vadd.s32 v3, v42;
	v44 =	vand.u32 $0x7, v26;
	s0 =	sld [smem:$0x7EF]  }
0x13f: {  	v35 =	vor.u32 v44, v35;
	[tilespmem:s7], [sflag:$0x3] =	stream.indirect_vreg.gather [hbm4b:s3+s2], $0x80, v40, vm0, $0xb8;
	[tilespmem:$0x4100] =	vst v63  }
0x140: {  	v34 =	vadd.s32 v3, v34;
	v45 =	vperm.xlane v35, v2;
	s7 =	sld [smem:$0x7F0]  }
0x141: {  	[tilespmem:s0], [sflag:$0x3] =	stream.indirect_vreg.gather [hbm4b:s3+s2], $0x80, v37, vm0, $0xb8;
	[tilespmem:$0x4100] =	vst v63  }
0x142: {  	v46 =	vperm.xlane v35, v4;
	v36 =	vadd.s32 v3, v45;
	s0 =	sld [smem:$0x7F1]  }
0x143: {  	[tilespmem:s7], [sflag:$0x3] =	stream.indirect_vreg.gather [hbm4b:s3+s2], $0x80, v33, vm0, $0xb8;
	[tilespmem:$0x4100] =	vst v63  }
0x144: {  	v47 =	vadd.s32 v3, v46;
	v48 =	vperm.xlane v35, v5;
	s7 =	sld [smem:$0x7F2]  }
0x145: {  	[tilespmem:s0], [sflag:$0x3] =	stream.indirect_vreg.gather [hbm4b:s3+s2], $0x80, v34, vm0, $0xb8;
	[tilespmem:$0x4100] =	vst v63  }
0x146: {  	v49 =	vadd.s32 v3, v48;
	v50 =	vperm.xlane v35, v6;
	s0 =	sld [smem:$0x7F3]  }
0x147: {  	[tilespmem:s7], [sflag:$0x4] =	stream.indirect_vreg.gather [hbm4b:s3+s2], $0x80, v36, vm0, $0xb8;
	[tilespmem:$0x4100] =	vst v63  }
0x148: {  	v51 =	vadd.s32 v3, v50;
	v52 =	vperm.xlane v35, v7;
	s7 =	sld [smem:$0x7F4]  }
0x149: {  	[tilespmem:s0], [sflag:$0x4] =	stream.indirect_vreg.gather [hbm4b:s3+s2], $0x80, v47, vm0, $0xb8;
	[tilespmem:$0x4100] =	vst v63  }
0x14a: {  	v53 =	vadd.s32 v3, v52;
	v54 =	vperm.xlane v35, v1;
	s0 =	sld [smem:$0x7F5]  }
0x14b: {  	[tilespmem:s7], [sflag:$0x4] =	stream.indirect_vreg.gather [hbm4b:s3+s2], $0x80, v49, vm0, $0xb8;
	[tilespmem:$0x4100] =	vst v63  }
0x14c: {  	v55 =	vadd.s32 v3, v54;
	v56 =	vperm.xlane v35, v8;
	s7 =	sld [smem:$0x7F6]  }
0x14d: {  	[tilespmem:s0], [sflag:$0x4] =	stream.indirect_vreg.gather [hbm4b:s3+s2], $0x80, v51, vm0, $0xb8;
	[tilespmem:$0x4100] =	vst v63  }
0x14e: {  	v57 =	vadd.s32 v3, v56;
	v58 =	vperm.xlane v35, v0;
	s0 =	sld [smem:$0x7F7]  }
0x14f: {  	[tilespmem:s7], [sflag:$0x4] =	stream.indirect_vreg.gather [hbm4b:s3+s2], $0x80, v53, vm0, $0xb8;
	[tilespmem:$0x4100] =	vst v63  }
0x150: {  	v59 =	vadd.s32 v3, v58;
	v60 =	vperm.xlane v35, v9;
	s7 =	sld [smem:$0x7F8]  }
0x151: {  	[tilespmem:s0], [sflag:$0x4] =	stream.indirect_vreg.gather [hbm4b:s3+s2], $0x80, v55, vm0, $0xb8;
	[tilespmem:$0x4100] =	vst v63  }
0x152: {  	v61 =	vadd.s32 v3, v60;
	v62 =	vperm.xlane v35, v10;
	s0 =	sld [smem:$0x7F9]  }
0x153: {  	[tilespmem:s7], [sflag:$0x4] =	stream.indirect_vreg.gather [hbm4b:s3+s2], $0x80, v57, vm0, $0xb8;
	[tilespmem:$0x4100] =	vst v63  }
0x154: {  	v63 =	vadd.s32 v3, v62;
	v40 =	vperm.xlane v35, v11;
	s7 =	sld [smem:$0x7FA]  }
0x155: {  	[tilespmem:s0], [sflag:$0x4] =	stream.indirect_vreg.gather [hbm4b:s3+s2], $0x80, v59, vm0, $0xb8;
	[tilespmem:$0x4100] =	vst v63  }
0x156: {  	v42 =	vperm.xlane v35, v13;
	v41 =	vadd.s32 v3, v40;
	s0 =	sld [smem:$0x7FB]  }
0x157: {  	[tilespmem:s7], [sflag:$0x4] =	stream.indirect_vreg.gather [hbm4b:s3+s2], $0x80, v61, vm0, $0xb8;
	[tilespmem:$0x4100] =	vst v63  }
0x158: {  	v44 =	vperm.xlane v35, v14;
	v43 =	vadd.s32 v3, v42;
	s7 =	sld [smem:$0x7FC]  }
0x159: {  	[tilespmem:s0], [sflag:$0x4] =	stream.indirect_vreg.gather [hbm4b:s3+s2], $0x80, v63, vm0, $0xb8;
	[tilespmem:$0x4100] =	vst v63  }
0x15a: {  	v45 =	vadd.s32 v3, v44;
	v46 =	vperm.xlane v35, v15;
	s0 =	sld [smem:$0x7FD]  }
0x15b: {  	[tilespmem:s7], [sflag:$0x4] =	stream.indirect_vreg.gather [hbm4b:s3+s2], $0x80, v41, vm0, $0xb8;
	[tilespmem:$0x4100] =	vst v63  }
0x15c: {  	v48 =	vshll.u32 v25, $0x5;
	v37 =	vadd.s32 v3, v46;
	v47 =	vperm.xlane v35, v16  }
0x15d: {  	v34 =	vand.u32 $0xFFFFFF00, v48;
	[tilespmem:s0], [sflag:$0x4] =	stream.indirect_vreg.gather [hbm4b:s3+s2], $0x80, v43, vm0, $0xb8;
	[tilespmem:$0x4100] =	vst v63  }
0x15e: {  	v35 =	vperm.xlane v35, v17;
	v33 =	vadd.s32 v3, v47;
	v49 =	vand.u32 $0x7, v25;
	s7 =	simm.s32 $0x3680  }
0x15f: {  	v34 =	vor.u32 v49, v34;
	[tilespmem:s7], [sflag:$0x4] =	stream.indirect_vreg.gather [hbm4b:s3+s2], $0x80, v45, vm0, $0xb8;
	[tilespmem:$0x4100] =	vst v63  }
0x160: {  	v35 =	vadd.s32 v3, v35;
	v50 =	vperm.xlane v34, v2  }
0x161: {  	[tilespmem:s8], [sflag:$0x4] =	stream.indirect_vreg.gather [hbm4b:s3+s2], $0x80, v37, vm0, $0xb8;
	[tilespmem:$0x4100] =	vst v63  }
0x162: {  	v51 =	vperm.xlane v34, v4;
	v36 =	vadd.s32 v3, v50  }
0x163: {  	[tilespmem:s9], [sflag:$0x4] =	stream.indirect_vreg.gather [hbm4b:s3+s2], $0x80, v33, vm0, $0xb8;
	[tilespmem:$0x4100] =	vst v63  }
0x164: {  	v52 =	vadd.s32 v3, v51;
	v53 =	vperm.xlane v34, v5  }
0x165: {  	[tilespmem:s10], [sflag:$0x4] =	stream.indirect_vreg.gather [hbm4b:s3+s2], $0x80, v35, vm0, $0xb8;
	[tilespmem:$0x4100] =	vst v63  }
0x166: {  	v54 =	vadd.s32 v3, v53;
	v55 =	vperm.xlane v34, v6  }
0x167: {  	[tilespmem:s11], [sflag:$0x4] =	stream.indirect_vreg.gather [hbm4b:s3+s2], $0x80, v36, vm0, $0xb8;
	[tilespmem:$0x4100] =	vst v63  }
0x168: {  	v56 =	vadd.s32 v3, v55;
	v57 =	vperm.xlane v34, v7  }
0x169: {  	[tilespmem:s12], [sflag:$0x4] =	stream.indirect_vreg.gather [hbm4b:s3+s2], $0x80, v52, vm0, $0xb8;
	[tilespmem:$0x4100] =	vst v63  }
0x16a: {  	v58 =	vadd.s32 v3, v57;
	v59 =	vperm.xlane v34, v1  }
0x16b: {  	[tilespmem:s13], [sflag:$0x4] =	stream.indirect_vreg.gather [hbm4b:s3+s2], $0x80, v54, vm0, $0xb8;
	[tilespmem:$0x4100] =	vst v63  }
0x16c: {  	v60 =	vadd.s32 v3, v59;
	v61 =	vperm.xlane v34, v8  }
0x16d: {  	[tilespmem:s14], [sflag:$0x4] =	stream.indirect_vreg.gather [hbm4b:s3+s2], $0x80, v56, vm0, $0xb8;
	[tilespmem:$0x4100] =	vst v63  }
0x16e: {  	v62 =	vadd.s32 v3, v61;
	v63 =	vperm.xlane v34, v0  }
0x16f: {  	[tilespmem:s15], [sflag:$0x4] =	stream.indirect_vreg.gather [hbm4b:s3+s2], $0x80, v58, vm0, $0xb8;
	[tilespmem:$0x4100] =	vst v63  }
0x170: {  	v40 =	vadd.s32 v3, v63;
	v41 =	vperm.xlane v34, v9  }
0x171: {  	[tilespmem:s16], [sflag:$0x4] =	stream.indirect_vreg.gather [hbm4b:s3+s2], $0x80, v60, vm0, $0xb8;
	[tilespmem:$0x4100] =	vst v63  }
0x172: {  	v42 =	vadd.s32 v3, v41;
	v43 =	vperm.xlane v34, v10  }
0x173: {  	[tilespmem:s17], [sflag:$0x4] =	stream.indirect_vreg.gather [hbm4b:s3+s2], $0x80, v62, vm0, $0xb8;
	[tilespmem:$0x4100] =	vst v63  }
0x174: {  	v44 =	vadd.s32 v3, v43;
	v45 =	vperm.xlane v34, v11  }
0x175: {  	[tilespmem:s18], [sflag:$0x4] =	stream.indirect_vreg.gather [hbm4b:s3+s2], $0x80, v40, vm0, $0xb8;
	[tilespmem:$0x4100] =	vst v63  }
0x176: {  	v47 =	vperm.xlane v34, v13;
	v46 =	vadd.s32 v3, v45  }
0x177: {  	[tilespmem:s19], [sflag:$0x4] =	stream.indirect_vreg.gather [hbm4b:s3+s2], $0x80, v42, vm0, $0xb8;
	[tilespmem:$0x4100] =	vst v63  }
0x178: {  	v49 =	vperm.xlane v34, v14;
	v48 =	vadd.s32 v3, v47  }
0x179: {  	[tilespmem:s20], [sflag:$0x4] =	stream.indirect_vreg.gather [hbm4b:s3+s2], $0x80, v44, vm0, $0xb8;
	[tilespmem:$0x4100] =	vst v63  }
0x17a: {  	v50 =	vadd.s32 v3, v49;
	v51 =	vperm.xlane v34, v15  }
0x17b: {  	[tilespmem:s21], [sflag:$0x4] =	stream.indirect_vreg.gather [hbm4b:s3+s2], $0x80, v46, vm0, $0xb8;
	[tilespmem:$0x4100] =	vst v63  }
0x17c: {  	v53 =	vperm.xlane v34, v16;
	v52 =	vadd.s32 v3, v51  }
0x17d: {  	[tilespmem:s22], [sflag:$0x4] =	stream.indirect_vreg.gather [hbm4b:s3+s2], $0x80, v48, vm0, $0xb8;
	[tilespmem:$0x4100] =	vst v63  }
0x17e: {  	v34 =	vperm.xlane v34, v17;
	v54 =	vadd.s32 v3, v53  }
0x17f: {  	[tilespmem:s23], [sflag:$0x4] =	stream.indirect_vreg.gather [hbm4b:s3+s2], $0x80, v50, vm0, $0xb8;
	[tilespmem:$0x4100] =	vst v63  }
0x180: {  	v34 =	vadd.s32 v3, v34  }
0x181: {  	[tilespmem:s24], [sflag:$0x4] =	stream.indirect_vreg.gather [hbm4b:s3+s2], $0x80, v52, vm0, $0xb8;
	[tilespmem:$0x4100] =	vst v63  }
0x182: {  	_ = 	snop  }
0x183: {  	[tilespmem:s25], [sflag:$0x4] =	stream.indirect_vreg.gather [hbm4b:s3+s2], $0x80, v54, vm0, $0xb8;
	[tilespmem:$0x4100] =	vst v63  }
0x184: {  	_ = 	snop  }
0x185: {  	[tilespmem:s26], [sflag:$0x4] =	stream.indirect_vreg.gather [hbm4b:s3+s2], $0x80, v34, vm0, $0xb8;
	[tilespmem:$0x4100] =	vst v63  }
0x186: {  	_ =	swait.ge [sflag:s28], $0x800  }
0x187: {  	[sflag:s28] =	ssyncset.done $0x0  }
0x188: {  	[sflag:s28] =	ssyncadd.s32 $0xFFFFF800  }
0x189: {  	_ =	swait.ge [sflag:s28], $0x800  }
0x18a: {  	[sflag:s28] =	ssyncset.done $0x0  }
0x18b: {  	[sflag:s28] =	ssyncadd.s32 $0xFFFFF800  }
0x18c: {  	v55 =	vld.idx.msk [tilespmem:v12+s6+$0x0], $0xffff  }
0x18d: {  	v56 =	vld.idx.msk [tilespmem:v18+s6+$0x0], $0xffff;
	_ =	swait.ge [sflag:s29], $0x800  }
0x18e: {  	[sflag:s29] =	ssyncset.done $0x0  }
0x18f: {  	[sflag:s29] =	ssyncadd.s32 $0xFFFFF800  }
0x190: {  	_ =	swait.ge [sflag:s29], $0x800  }
0x191: {  	[sflag:s29] =	ssyncset.done $0x0  }
0x192: {  	[sflag:s29] =	ssyncadd.s32 $0xFFFFF800  }
0x193: {  	v57 =	vld.idx.msk [tilespmem:v19+s6+$0x0], $0xffff  }
0x194: {  	v58 =	vld.idx.msk [tilespmem:v20+s6+$0x0], $0xffff;
	_ =	swait.ge [sflag:s30], $0x800  }
0x195: {  	[sflag:s30] =	ssyncset.done $0x0  }
0x196: {  	[sflag:s30] =	ssyncadd.s32 $0xFFFFF800  }
0x197: {  	_ =	swait.ge [sflag:s30], $0x800  }
0x198: {  	[sflag:s30] =	ssyncset.done $0x0  }
0x199: {  	[sflag:s30] =	ssyncadd.s32 $0xFFFFF800  }
0x19a: {  	v33 =	vsub.f32 $0.0e+00, v55;
	v59 =	vld.idx.msk [tilespmem:v21+s6+$0x0], $0xffff  }
0x19b: {  	vm1 =	vgt.s32 v30, $0x0;
	vm2 =	vgt.s32 v32, $0x0;
	v60 =	vld.idx.msk [tilespmem:v22+s6+$0x0], $0xffff;
	_ =	swait.ge [sflag:s31], $0x800  }
0x19c: {  	v32 =	vnsel vm2, $0x0, v56;
	v30 =	vnsel vm1, $0x0, v33;
	[sflag:s31] =	ssyncset.done $0x0  }
0x19d: {  	vm1 =	vgt.s32 v31, $0x0;
	v30 =	vsub.f32 v30, v32;
	[sflag:s31] =	ssyncadd.s32 $0xFFFFF800  }
0x19e: {  	v31 =	vnsel vm1, $0x0, v57;
	_ =	swait.ge [sflag:s31], $0x800  }
0x19f: {  	vm1 =	vgt.s32 v29, $0x0;
	v30 =	vsub.f32 v30, v31;
	[sflag:s31] =	ssyncset.done $0x0  }
0x1a0: {  	v29 =	vnsel vm1, $0x0, v58;
	[sflag:s31] =	ssyncadd.s32 $0xFFFFF800  }
0x1a1: {  	vm1 =	vgt.s32 v28, $0x0;
	v29 =	vsub.f32 v30, v29;
	v61 =	vld.idx.msk [tilespmem:v23+s6+$0x0], $0xffff  }
0x1a2: {  	v62 =	vnsel vm1, $0x0, v59  }
0x1a3: {  	vm1 =	vgt.s32 v27, $0x0;
	v29 =	vsub.f32 v29, v62;
	v27 =	vld.idx.msk [tilespmem:v24+s6+$0x0], $0xffff  }
0x1a4: {  	v63 =	vnsel vm1, $0x0, v60  }
0x1a5: {  	vm1 =	vgt.s32 v26, $0x0;
	v29 =	vsub.f32 v29, v63  }
0x1a6: {  	v26 =	vnsel vm1, $0x0, v61  }
0x1a7: {  	vm1 =	vgt.s32 v25, $0x0;
	v26 =	vsub.f32 v29, v26  }
0x1a8: {  	v25 =	vnsel vm1, $0x0, v27  }
0x1a9: {  	v25 =	vsub.f32 v26, v25  }
0x1aa: {  	p0 =	sne.s32 s4, $0x1  }
.Ltmp0:
0x1ab: {  	s7 =	rddreg [dreg:$0x5];
	[tilespmem:$0x4080] =	vst v25;
	(pc) =	sbr.rel @p0 .LBB2_1-.Ltmp0, $4  }
0x1ac: {  	[hbm4b:s7+s2] =	stream.linear.scatter [tilespmem:s1], [sflag:$0x5], $0x80, $0x38;
	[tilespmem:$0x4100] =	vst v63  }
0x1ad: {  	_ =	swait.ge [sflag:s5], $0x80  }
0x1ae: {  	[sflag:s5] =	ssyncset.done $0x0  }
0x1af: {  	s4 =	sadd.s32 $0xFFFFFFFF, s4;
	[sflag:s5] =	ssyncadd.s32 $0xFFFFFF80  }
0x1b0: {  	_ =	sfence.sel $0x180000  }
0x1b1: {  	[bflag:$0x0] =	sbarrier.arrive $0xFFFF  }
0x1b2: {  	_ =	strace $0x90000047  }
0x1b3: {  	s0 =	stileid.u32;
	[bflag:$0x2] =	sbarrier.arrive $0xFFFF  }
0x1b4: {  	p0 =	sne.s32 s0, $0x0;
	s0 =	rddreg [dreg:$0x3]  }
0x1b5: {  	s0 =	sadd.s32 @!p0 $0x100000, s0  }
0x1b6: {  	[sflag:s0] =	ssyncadd.tile.s32 @!p0 $0x1;
	_ =	shalt  }
.Lfunc_end2:
_tile_overlayer_lowered:
.L_overlay_start_2:
0x1b7: {  	(tag) =	ssettag $0x2  }
0x1b8: {  	s0 =	rddreg [dreg:$0x0];
	s2 =	stileid.u32  }
0x1b9: {  	s1 =	rddreg [dreg:$0x1];
	p0 =	sne.s32 s2, $0x0  }
0x1ba: {  	s3 =	rddreg [dreg:$0x2];
	[bflag:$0x3] =	sbarrier.arrive $0xFFFF;
	s2 =	simm.s32 @!p0 $0x1C05  }
0x1bb: {  	[timem:s3], [sflag:s2] =	dma.local @!p0 [hbm:s0], s1  }
0x1bc: {  	s0 =	simm.s32 @!p0 $0x5  }
0x1bd: {  	_ =	swait.ge @!p0 [sflag:s0], s1  }
0x1be: {  	s1 =	ssub.s32 @!p0 $0x0, s1;
	[sflag:s0] =	ssyncset.done @!p0 $0x0  }
0x1bf: {  	[sflag:s0] =	ssyncadd.s32 @!p0 s1  }
0x1c0: {  	[bflag:$0x3] =	sbarrier.arrive $0xFFFF  }
0x1c1: {  	_ =	shalt  }

</sc_bundles>
